<compile_context>
chip_gen: v7x
topology: tpu7x:2x2x1
jax: 0.10.2.dev20260603
libtpu: 0.0.44.dev20260713+nightly
codegen_flags: <defaults>
</compile_context>

<pallas_src>
import jax
import jax.numpy as jnp
from jax import lax
from jax.experimental import pallas as pl
from jax.experimental.pallas import tpu as pltpu
from jax.experimental.pallas import tpu_sc as plsc

_NUM_ACT = 96
_SIZE = 101
_HALF = _SIZE // 2
_INV_GRID = 12.5
_CWIN = 128

_N = 4 * _NUM_ACT * 224 * 224
_NTILES = 32
_SLAB = 224 * 224
_CH = _SLAB // 4
_CPS = _SLAB // _CH
_VREGS = _CH // 16
_NBUF = 3
_NSLAB = _N // _SLAB
_CHUNKS = _NSLAB * _CPS // _NTILES


def _tec_body(x_hbm, cv_hbm, sc_hbm, zk_hbm, out_hbm, *scr):
    info = plsc.get_sparse_core_info()
    nc = info.num_cores
    wid = lax.axis_index("s") * nc + lax.axis_index("c")

    xbufs = scr[0:_NBUF]
    obufs = scr[_NBUF:2 * _NBUF]
    cv_raw, sc_v, zk_v, cvp, dp = scr[2 * _NBUF:2 * _NBUF + 5]
    isems = scr[2 * _NBUF + 5:3 * _NBUF + 5]
    osems = scr[3 * _NBUF + 5:4 * _NBUF + 5]

    def in_copy(k, b):
        return pltpu.make_async_copy(
            x_hbm.at[wid * _CHUNKS + k], xbufs[b], isems[b])

    def out_copy(k, b):
        return pltpu.make_async_copy(
            obufs[b], out_hbm.at[wid * _CHUNKS + k], osems[b])

    for b in range(_NBUF):
        in_copy(b, b).start()

    pltpu.sync_copy(cv_hbm, cv_raw.at[pl.ds(0, _NUM_ACT * _SIZE)])
    pltpu.sync_copy(sc_hbm, sc_v.at[pl.ds(0, _NUM_ACT)])
    pltpu.sync_copy(zk_hbm, zk_v.at[pl.ds(0, _NUM_ACT)])

    lane = lax.iota(jnp.int32, 16)

    def prep(c, carry):
        ci = jnp.full((16,), c, jnp.int32)
        zkv = plsc.load_gather(zk_v, [ci])
        rsv = 1.0 / plsc.load_gather(sc_v, [ci])
        b0 = zkv - _HALF
        for j in range(_CWIN // 16):
            src = b0 + (j * 16) + lane
            v0 = plsc.load_gather(cv_raw, [src])
            v1 = plsc.load_gather(cv_raw, [src + 1])
            dst = c * _CWIN + j * 16
            cvp[pl.ds(dst, 16)] = v0 * rsv
            dp[pl.ds(dst, 16)] = (v1 - v0) * rsv
        return carry

    lax.fori_loop(0, _NUM_ACT, prep, 0)

    def compute(k, xbuf, obuf):
        c = ((wid * _CHUNKS + k) // _CPS) % _NUM_ACT
        ci = jnp.full((16,), c, jnp.int32)
        scv = plsc.load_gather(sc_v, [ci])
        a = scv * _INV_GRID
        cb = jnp.full((16,), c * _CWIN, jnp.int32)

        @plsc.parallel_loop(0, _VREGS, 1, unroll=8)
        def vec(i):
            xv = xbuf[pl.ds(i * 16, 16)]
            s = xv * a + float(_HALF)
            u = jnp.clip(s, 0.0, float(_SIZE - 2))
            iu = u.astype(jnp.int32)
            fu = iu.astype(jnp.float32)
            fr = s - fu
            ix = cb + iu
            g0 = plsc.load_gather(cvp, [ix])
            dl = plsc.load_gather(dp, [ix])
            obuf[pl.ds(i * 16, 16)] = g0 + fr * dl

    def ring(p, carry):
        k0 = p * _NBUF
        for b in range(_NBUF):
            k = k0 + b
            in_copy(k, b).wait()

            @pl.when(k >= _NBUF)
            def _wait_out():
                out_copy(k - _NBUF, b).wait()

            compute(k, xbufs[b], obufs[b])
            out_copy(k, b).start()

            @pl.when(k + _NBUF < _CHUNKS)
            def _next_in():
                in_copy(k + _NBUF, b).start()
        return carry

    lax.fori_loop(0, _CHUNKS // _NBUF, ring, 0)
    for b in range(_NBUF):
        out_copy(_CHUNKS - _NBUF + b, b).wait()


@jax.jit
def _spline_sc(xflat, cv, scv, zk):
    run = pl.kernel(
        _tec_body,
        out_type=jax.ShapeDtypeStruct((_NSLAB * _CPS, _CH), jnp.float32),
        mesh=plsc.VectorSubcoreMesh(core_axis_name="c", subcore_axis_name="s"),
        compiler_params=pltpu.CompilerParams(needs_layout_passes=False),
        scratch_types=(
            [pltpu.VMEM((_CH,), jnp.float32)] * (2 * _NBUF)
            + [
                pltpu.VMEM((9728,), jnp.float32),
                pltpu.VMEM((128,), jnp.float32),
                pltpu.VMEM((128,), jnp.int32),
                pltpu.VMEM((_NUM_ACT * _CWIN,), jnp.float32),
                pltpu.VMEM((_NUM_ACT * _CWIN,), jnp.float32),
            ]
            + [pltpu.SemaphoreType.DMA] * (2 * _NBUF)
        ),
    )
    return run(xflat, cv, scv, zk)


def kernel(x, coefficients_vect, scaling_coeffs_vect, zero_knot_indexes):
    out = _spline_sc(
        x.reshape(_NSLAB * _CPS, _CH),
        coefficients_vect,
        scaling_coeffs_vect.reshape(-1),
        zero_knot_indexes.astype(jnp.int32),
    )
    return out.reshape(x.shape)

# --- scband reference (transcript-rebuilt; emitter-appended) ---
"""Pipeline reference for scband-linear-spline-51187420233926 (READ-ONLY COPY).

The authoritative reference and input builder live on the scoring server;
editing this copy changes nothing except your own understanding.
"""

import jax, jax.numpy as jnp
import numpy as np

NUM_ACT = 96
SIZE = 101
RANGE = 4.0
GRID = 2.0 * RANGE / (SIZE - 1)
EVEN = (SIZE % 2 == 0)


def _spline(x, coefficients_vect, zero_knot_indexes):
    # Faithful translation of LinearSpline_Func.forward
    max_range = GRID * (SIZE // 2 - 1)
    xx = x
    if EVEN:
        xx = x - GRID / 2
        max_range = GRID * (SIZE // 2 - 2)
    x_clamped = jnp.clip(xx, -(GRID * (SIZE // 2)), max_range)
    floored_x = jnp.floor(x_clamped / GRID)
    fracs = xx / GRID - floored_x
    indexes = (zero_knot_indexes.reshape(1, -1, 1, 1).astype(jnp.float32) + floored_x).astype(jnp.int32)
    out = jnp.take(coefficients_vect, indexes + 1) * fracs + jnp.take(coefficients_vect, indexes) * (1.0 - fracs)
    if EVEN:
        out = out + GRID / 2
    return out


def setup_inputs(seed: int = 0) -> dict:
    key = jax.random.key(seed)
    x = jax.random.normal(jax.random.fold_in(key, 0), (4, NUM_ACT, 224, 224), dtype=jnp.float32)
    # learned params, sized per init_kwargs, init='relu'
    grid_tensor = jnp.broadcast_to(jnp.linspace(-RANGE, RANGE, SIZE, dtype=jnp.float32), (NUM_ACT, SIZE))
    coefficients = jax.nn.relu(grid_tensor)
    coefficients_vect = coefficients.reshape(-1)
    scaling_coeffs_vect = jnp.ones((1, NUM_ACT, 1, 1), dtype=jnp.float32)
    zero_knot_indexes = (jnp.arange(NUM_ACT, dtype=jnp.int32) * SIZE + SIZE // 2)
    return {"x": x, "coefficients_vect": coefficients_vect, "scaling_coeffs_vect": scaling_coeffs_vect, "zero_knot_indexes": zero_knot_indexes}


def reference(x, coefficients_vect, scaling_coeffs_vect, zero_knot_indexes):
    # mode='conv': input already 4D (N, C, H, W), C == num_activations
    xs = x * scaling_coeffs_vect
    out = _spline(xs, coefficients_vect, zero_knot_indexes)
    out = out / scaling_coeffs_vect
    return out

if __name__ == "__main__":
    import jax
    _d = setup_inputs()
    print(jax.jit(kernel)(*tuple(_d.values())))

</pallas_src>

<mosaic_0001>
#map = affine_map<(d0, d1) -> (0, 0)>
#map1 = affine_map<(d0, d1) -> (0)>
module attributes {stable_mosaic.version = 14 : i64} {
  func.func @_tec_body(%arg0: i32, %arg1: i32, %arg2: memref<1536x12544xf32, #tpu.memory_space<hbm>>, %arg3: memref<9696xf32, #tpu.memory_space<hbm>>, %arg4: memref<96xf32, #tpu.memory_space<hbm>>, %arg5: memref<96xi32, #tpu.memory_space<hbm>>, %arg6: memref<1536x12544xf32, #tpu.memory_space<hbm>>, %arg7: memref<12544xf32, #tpu.memory_space<vmem>>, %arg8: memref<12544xf32, #tpu.memory_space<vmem>>, %arg9: memref<12544xf32, #tpu.memory_space<vmem>>, %arg10: memref<12544xf32, #tpu.memory_space<vmem>>, %arg11: memref<12544xf32, #tpu.memory_space<vmem>>, %arg12: memref<12544xf32, #tpu.memory_space<vmem>>, %arg13: memref<9728xf32, #tpu.memory_space<vmem>>, %arg14: memref<128xf32, #tpu.memory_space<vmem>>, %arg15: memref<128xi32, #tpu.memory_space<vmem>>, %arg16: memref<12288xf32, #tpu.memory_space<vmem>>, %arg17: memref<12288xf32, #tpu.memory_space<vmem>>, %arg18: memref<!tpu.dma_semaphore, #tpu.memory_space<semaphore_mem>>, %arg19: memref<!tpu.dma_semaphore, #tpu.memory_space<semaphore_mem>>, %arg20: memref<!tpu.dma_semaphore, #tpu.memory_space<semaphore_mem>>, %arg21: memref<!tpu.dma_semaphore, #tpu.memory_space<semaphore_mem>>, %arg22: memref<!tpu.dma_semaphore, #tpu.memory_space<semaphore_mem>>, %arg23: memref<!tpu.dma_semaphore, #tpu.memory_space<semaphore_mem>>) attributes {dimension_semantics = [#tpu.dimension_semantics<core_parallel>, #tpu.dimension_semantics<subcore_parallel>], iteration_bounds = array<i64: 2, 16>, scalar_prefetch = 0 : i64, scratch_operands = 17 : i64, tpu.core_type = #tpu.core_type<sc_vector_subcore>, window_params = [{transform_indices = #map}, {transform_indices = #map1}, {transform_indices = #map1}, {transform_indices = #map1}, {transform_indices = #map}]} {
    %mul3A = arith.constant 2 : i32
    %mul3A_0 = arith.muli %arg1, %mul3A : i32
    %add3A = arith.addi %mul3A_0, %arg0 : i32
    %mul3A_1 = arith.constant 48 : i32
    %mul3A_2 = arith.muli %add3A, %mul3A_1 : i32
    %add3A_3 = arith.constant 0 : i32
    %add3A_4 = arith.addi %mul3A_2, %add3A_3 : i32
    %dma_start3A = arith.constant 0 : i32
    %dma_start3A_5 = tpu.memref_slice %arg2[%add3A_4, %dma_start3A] : memref<1536x12544xf32, #tpu.memory_space<hbm>> -> memref<1x12544xf32, #tpu.memory_space<hbm>>
    %dma_start3A_6 = tpu.memref_squeeze %dma_start3A_5 : memref<1x12544xf32, #tpu.memory_space<hbm>> -> memref<12544xf32, #tpu.memory_space<hbm>>
    %dma_start3A_7 = arith.constant 0 : i32
    %dma_start3A_8 = tpu.memref_slice %arg2[%add3A_4, %dma_start3A_7] : memref<1536x12544xf32, #tpu.memory_space<hbm>> -> memref<1x12544xf32, #tpu.memory_space<hbm>>
    %dma_start3A_9 = tpu.memref_squeeze %dma_start3A_8 : memref<1x12544xf32, #tpu.memory_space<hbm>> -> memref<12544xf32, #tpu.memory_space<hbm>>
    tpu.enqueue_dma source(%dma_start3A_9 : memref<12544xf32, #tpu.memory_space<hbm>>) target(%arg7 : memref<12544xf32, #tpu.memory_space<vmem>>) target_semaphore(%arg18 : memref<!tpu.dma_semaphore, #tpu.memory_space<semaphore_mem>>)
    %mul3A_10 = arith.constant 48 : i32
    %mul3A_11 = arith.muli %add3A, %mul3A_10 : i32
    %add3A_12 = arith.constant 1 : i32
    %add3A_13 = arith.addi %mul3A_11, %add3A_12 : i32
    %dma_start3A_14 = arith.constant 0 : i32
    %dma_start3A_15 = tpu.memref_slice %arg2[%add3A_13, %dma_start3A_14] : memref<1536x12544xf32, #tpu.memory_space<hbm>> -> memref<1x12544xf32, #tpu.memory_space<hbm>>
    %dma_start3A_16 = tpu.memref_squeeze %dma_start3A_15 : memref<1x12544xf32, #tpu.memory_space<hbm>> -> memref<12544xf32, #tpu.memory_space<hbm>>
    %dma_start3A_17 = arith.constant 0 : i32
    %dma_start3A_18 = tpu.memref_slice %arg2[%add3A_13, %dma_start3A_17] : memref<1536x12544xf32, #tpu.memory_space<hbm>> -> memref<1x12544xf32, #tpu.memory_space<hbm>>
    %dma_start3A_19 = tpu.memref_squeeze %dma_start3A_18 : memref<1x12544xf32, #tpu.memory_space<hbm>> -> memref<12544xf32, #tpu.memory_space<hbm>>
    tpu.enqueue_dma source(%dma_start3A_19 : memref<12544xf32, #tpu.memory_space<hbm>>) target(%arg8 : memref<12544xf32, #tpu.memory_space<vmem>>) target_semaphore(%arg19 : memref<!tpu.dma_semaphore, #tpu.memory_space<semaphore_mem>>)
    %mul3A_20 = arith.constant 48 : i32
    %mul3A_21 = arith.muli %add3A, %mul3A_20 : i32
    %add3A_22 = arith.constant 2 : i32
    %add3A_23 = arith.addi %mul3A_21, %add3A_22 : i32
    %dma_start3A_24 = arith.constant 0 : i32
    %dma_start3A_25 = tpu.memref_slice %arg2[%add3A_23, %dma_start3A_24] : memref<1536x12544xf32, #tpu.memory_space<hbm>> -> memref<1x12544xf32, #tpu.memory_space<hbm>>
    %dma_start3A_26 = tpu.memref_squeeze %dma_start3A_25 : memref<1x12544xf32, #tpu.memory_space<hbm>> -> memref<12544xf32, #tpu.memory_space<hbm>>
    %dma_start3A_27 = arith.constant 0 : i32
    %dma_start3A_28 = tpu.memref_slice %arg2[%add3A_23, %dma_start3A_27] : memref<1536x12544xf32, #tpu.memory_space<hbm>> -> memref<1x12544xf32, #tpu.memory_space<hbm>>
    %dma_start3A_29 = tpu.memref_squeeze %dma_start3A_28 : memref<1x12544xf32, #tpu.memory_space<hbm>> -> memref<12544xf32, #tpu.memory_space<hbm>>
    tpu.enqueue_dma source(%dma_start3A_29 : memref<12544xf32, #tpu.memory_space<hbm>>) target(%arg9 : memref<12544xf32, #tpu.memory_space<vmem>>) target_semaphore(%arg20 : memref<!tpu.dma_semaphore, #tpu.memory_space<semaphore_mem>>)
    "tpu.region"() ({
      %run_scoped3A = tpu.sem_alloc : memref<!tpu.dma_semaphore, #tpu.memory_space<semaphore_mem>>
      %dma_start3A_70 = arith.constant 0 : i32
      %dma_start3A_71 = tpu.memref_slice %arg13[%dma_start3A_70] : memref<9728xf32, #tpu.memory_space<vmem>> -> memref<9696xf32, #tpu.memory_space<vmem>>
      %dma_start3A_72 = arith.constant 0 : i32
      %dma_start3A_73 = tpu.memref_slice %arg13[%dma_start3A_72] : memref<9728xf32, #tpu.memory_space<vmem>> -> memref<9696xf32, #tpu.memory_space<vmem>>
      tpu.enqueue_dma source(%arg3 : memref<9696xf32, #tpu.memory_space<hbm>>) target(%dma_start3A_73 : memref<9696xf32, #tpu.memory_space<vmem>>) target_semaphore(%run_scoped3A : memref<!tpu.dma_semaphore, #tpu.memory_space<semaphore_mem>>)
      %dma_wait3A_74 = arith.constant 0 : i32
      %dma_wait3A_75 = tpu.memref_slice %arg13[%dma_wait3A_74] : memref<9728xf32, #tpu.memory_space<vmem>> -> memref<9696xf32, #tpu.memory_space<vmem>>
      %dma_wait3A_76 = arith.constant 0 : i32
      %dma_wait3A_77 = tpu.memref_slice %arg13[%dma_wait3A_76] : memref<9728xf32, #tpu.memory_space<vmem>> -> memref<9696xf32, #tpu.memory_space<vmem>>
      tpu.wait_dma2 semaphore(%run_scoped3A : memref<!tpu.dma_semaphore, #tpu.memory_space<semaphore_mem>>) src(%arg3 : memref<9696xf32, #tpu.memory_space<hbm>>) dst(%dma_wait3A_77 : memref<9696xf32, #tpu.memory_space<vmem>>)
      tpu.yield
    }) : () -> ()
    "tpu.region"() ({
      %run_scoped3A = tpu.sem_alloc : memref<!tpu.dma_semaphore, #tpu.memory_space<semaphore_mem>>
      %dma_start3A_70 = arith.constant 0 : i32
      %dma_start3A_71 = tpu.memref_slice %arg14[%dma_start3A_70] : memref<128xf32, #tpu.memory_space<vmem>> -> memref<96xf32, #tpu.memory_space<vmem>>
      %dma_start3A_72 = arith.constant 0 : i32
      %dma_start3A_73 = tpu.memref_slice %arg14[%dma_start3A_72] : memref<128xf32, #tpu.memory_space<vmem>> -> memref<96xf32, #tpu.memory_space<vmem>>
      tpu.enqueue_dma source(%arg4 : memref<96xf32, #tpu.memory_space<hbm>>) target(%dma_start3A_73 : memref<96xf32, #tpu.memory_space<vmem>>) target_semaphore(%run_scoped3A : memref<!tpu.dma_semaphore, #tpu.memory_space<semaphore_mem>>)
      %dma_wait3A_74 = arith.constant 0 : i32
      %dma_wait3A_75 = tpu.memref_slice %arg14[%dma_wait3A_74] : memref<128xf32, #tpu.memory_space<vmem>> -> memref<96xf32, #tpu.memory_space<vmem>>
      %dma_wait3A_76 = arith.constant 0 : i32
      %dma_wait3A_77 = tpu.memref_slice %arg14[%dma_wait3A_76] : memref<128xf32, #tpu.memory_space<vmem>> -> memref<96xf32, #tpu.memory_space<vmem>>
      tpu.wait_dma2 semaphore(%run_scoped3A : memref<!tpu.dma_semaphore, #tpu.memory_space<semaphore_mem>>) src(%arg4 : memref<96xf32, #tpu.memory_space<hbm>>) dst(%dma_wait3A_77 : memref<96xf32, #tpu.memory_space<vmem>>)
      tpu.yield
    }) : () -> ()
    "tpu.region"() ({
      %run_scoped3A = tpu.sem_alloc : memref<!tpu.dma_semaphore, #tpu.memory_space<semaphore_mem>>
      %dma_start3A_70 = arith.constant 0 : i32
      %dma_start3A_71 = tpu.memref_slice %arg15[%dma_start3A_70] : memref<128xi32, #tpu.memory_space<vmem>> -> memref<96xi32, #tpu.memory_space<vmem>>
      %dma_start3A_72 = arith.constant 0 : i32
      %dma_start3A_73 = tpu.memref_slice %arg15[%dma_start3A_72] : memref<128xi32, #tpu.memory_space<vmem>> -> memref<96xi32, #tpu.memory_space<vmem>>
      tpu.enqueue_dma source(%arg5 : memref<96xi32, #tpu.memory_space<hbm>>) target(%dma_start3A_73 : memref<96xi32, #tpu.memory_space<vmem>>) target_semaphore(%run_scoped3A : memref<!tpu.dma_semaphore, #tpu.memory_space<semaphore_mem>>)
      %dma_wait3A_74 = arith.constant 0 : i32
      %dma_wait3A_75 = tpu.memref_slice %arg15[%dma_wait3A_74] : memref<128xi32, #tpu.memory_space<vmem>> -> memref<96xi32, #tpu.memory_space<vmem>>
      %dma_wait3A_76 = arith.constant 0 : i32
      %dma_wait3A_77 = tpu.memref_slice %arg15[%dma_wait3A_76] : memref<128xi32, #tpu.memory_space<vmem>> -> memref<96xi32, #tpu.memory_space<vmem>>
      tpu.wait_dma2 semaphore(%run_scoped3A : memref<!tpu.dma_semaphore, #tpu.memory_space<semaphore_mem>>) src(%arg5 : memref<96xi32, #tpu.memory_space<hbm>>) dst(%dma_wait3A_77 : memref<96xi32, #tpu.memory_space<vmem>>)
      tpu.yield
    }) : () -> ()
    %iota3A = tpu.iota {dimensions = array<i32: 0>} : vector<16xi32>
    %scan3A = arith.constant 0 : i32
    %scan3A_30 = arith.constant 0 : i32
    %scan3A_31 = arith.constant 96 : i32
    %scan3A_32 = arith.addi %scan3A_30, %scan3A_31 : i32
    %scan3A_33 = arith.constant 1 : i32
    scf.for %scan3A_70 = %scan3A_30 to %scan3A_32 step %scan3A_33  : i32 {
      %broadcast_in_dim3A = vector.broadcast %scan3A_70 : i32 to vector<16xi32>
      %gather3A = tpu.vector_load_idx %arg15[%broadcast_in_dim3A] : memref<128xi32, #tpu.memory_space<vmem>>[vector<16xi32>], vector<16xi32>,
      %gather3A_71 = tpu.vector_load_idx %arg14[%broadcast_in_dim3A] : memref<128xf32, #tpu.memory_space<vmem>>[vector<16xi32>], vector<16xf32>,
      %div3A = arith.constant 1.000000e+00 : f32
      %div3A_72 = vector.broadcast %div3A : f32 to vector<16xf32>
      %div3A_73 = arith.divf %div3A_72, %gather3A_71 : vector<16xf32>
      %sub3A = arith.constant 50 : i32
      %sub3A_74 = vector.broadcast %sub3A : i32 to vector<16xi32>
      %sub3A_75 = arith.subi %gather3A, %sub3A_74 : vector<16xi32>
      %add3A_76 = arith.constant 0 : i32
      %add3A_77 = vector.broadcast %add3A_76 : i32 to vector<16xi32>
      %add3A_78 = arith.addi %sub3A_75, %add3A_77 : vector<16xi32>
      %add3A_79 = arith.addi %add3A_78, %iota3A : vector<16xi32>
      %gather3A_80 = tpu.vector_load_idx %arg13[%add3A_79] : memref<9728xf32, #tpu.memory_space<vmem>>[vector<16xi32>], vector<16xf32>,
      %add3A_81 = arith.constant 1 : i32
      %add3A_82 = vector.broadcast %add3A_81 : i32 to vector<16xi32>
      %add3A_83 = arith.addi %add3A_79, %add3A_82 : vector<16xi32>
      %gather3A_84 = tpu.vector_load_idx %arg13[%add3A_83] : memref<9728xf32, #tpu.memory_space<vmem>>[vector<16xi32>], vector<16xf32>,
      %mul3A_85 = arith.constant 128 : i32
      %mul3A_86 = arith.muli %scan3A_70, %mul3A_85 : i32
      %add3A_87 = arith.constant 0 : i32
      %add3A_88 = arith.addi %mul3A_86, %add3A_87 : i32
      %mul3A_89 = arith.mulf %gather3A_80, %div3A_73 : vector<16xf32>
      %swap3A = arith.index_cast %add3A_88 : i32 to index
      %swap3A_90 = tpu.vector_load %arg16[%swap3A] {strides = array<i32>} : memref<12288xf32, #tpu.memory_space<vmem>>, vector<16xf32>,
      tpu.vector_store %arg16[%swap3A], %mul3A_89 {strides = array<i32>} : memref<12288xf32, #tpu.memory_space<vmem>>, vector<16xf32>,
      %sub3A_91 = arith.subf %gather3A_84, %gather3A_80 : vector<16xf32>
      %mul3A_92 = arith.mulf %sub3A_91, %div3A_73 : vector<16xf32>
      %swap3A_93 = arith.index_cast %add3A_88 : i32 to index
      %swap3A_94 = tpu.vector_load %arg17[%swap3A_93] {strides = array<i32>} : memref<12288xf32, #tpu.memory_space<vmem>>, vector<16xf32>,
      tpu.vector_store %arg17[%swap3A_93], %mul3A_92 {strides = array<i32>} : memref<12288xf32, #tpu.memory_space<vmem>>, vector<16xf32>,
      %add3A_95 = arith.constant 16 : i32
      %add3A_96 = vector.broadcast %add3A_95 : i32 to vector<16xi32>
      %add3A_97 = arith.addi %sub3A_75, %add3A_96 : vector<16xi32>
      %add3A_98 = arith.addi %add3A_97, %iota3A : vector<16xi32>
      %gather3A_99 = tpu.vector_load_idx %arg13[%add3A_98] : memref<9728xf32, #tpu.memory_space<vmem>>[vector<16xi32>], vector<16xf32>,
      %add3A_100 = arith.constant 1 : i32
      %add3A_101 = vector.broadcast %add3A_100 : i32 to vector<16xi32>
      %add3A_102 = arith.addi %add3A_98, %add3A_101 : vector<16xi32>
      %gather3A_103 = tpu.vector_load_idx %arg13[%add3A_102] : memref<9728xf32, #tpu.memory_space<vmem>>[vector<16xi32>], vector<16xf32>,
      %mul3A_104 = arith.constant 128 : i32
      %mul3A_105 = arith.muli %scan3A_70, %mul3A_104 : i32
      %add3A_106 = arith.constant 16 : i32
      %add3A_107 = arith.addi %mul3A_105, %add3A_106 : i32
      %mul3A_108 = arith.mulf %gather3A_99, %div3A_73 : vector<16xf32>
      %swap3A_109 = arith.index_cast %add3A_107 : i32 to index
      %swap3A_110 = tpu.vector_load %arg16[%swap3A_109] {strides = array<i32>} : memref<12288xf32, #tpu.memory_space<vmem>>, vector<16xf32>,
      tpu.vector_store %arg16[%swap3A_109], %mul3A_108 {strides = array<i32>} : memref<12288xf32, #tpu.memory_space<vmem>>, vector<16xf32>,
      %sub3A_111 = arith.subf %gather3A_103, %gather3A_99 : vector<16xf32>
      %mul3A_112 = arith.mulf %sub3A_111, %div3A_73 : vector<16xf32>
      %swap3A_113 = arith.index_cast %add3A_107 : i32 to index
      %swap3A_114 = tpu.vector_load %arg17[%swap3A_113] {strides = array<i32>} : memref<12288xf32, #tpu.memory_space<vmem>>, vector<16xf32>,
      tpu.vector_store %arg17[%swap3A_113], %mul3A_112 {strides = array<i32>} : memref<12288xf32, #tpu.memory_space<vmem>>, vector<16xf32>,
      %add3A_115 = arith.constant 32 : i32
      %add3A_116 = vector.broadcast %add3A_115 : i32 to vector<16xi32>
      %add3A_117 = arith.addi %sub3A_75, %add3A_116 : vector<16xi32>
      %add3A_118 = arith.addi %add3A_117, %iota3A : vector<16xi32>
      %gather3A_119 = tpu.vector_load_idx %arg13[%add3A_118] : memref<9728xf32, #tpu.memory_space<vmem>>[vector<16xi32>], vector<16xf32>,
      %add3A_120 = arith.constant 1 : i32
      %add3A_121 = vector.broadcast %add3A_120 : i32 to vector<16xi32>
      %add3A_122 = arith.addi %add3A_118, %add3A_121 : vector<16xi32>
      %gather3A_123 = tpu.vector_load_idx %arg13[%add3A_122] : memref<9728xf32, #tpu.memory_space<vmem>>[vector<16xi32>], vector<16xf32>,
      %mul3A_124 = arith.constant 128 : i32
      %mul3A_125 = arith.muli %scan3A_70, %mul3A_124 : i32
      %add3A_126 = arith.constant 32 : i32
      %add3A_127 = arith.addi %mul3A_125, %add3A_126 : i32
      %mul3A_128 = arith.mulf %gather3A_119, %div3A_73 : vector<16xf32>
      %swap3A_129 = arith.index_cast %add3A_127 : i32 to index
      %swap3A_130 = tpu.vector_load %arg16[%swap3A_129] {strides = array<i32>} : memref<12288xf32, #tpu.memory_space<vmem>>, vector<16xf32>,
      tpu.vector_store %arg16[%swap3A_129], %mul3A_128 {strides = array<i32>} : memref<12288xf32, #tpu.memory_space<vmem>>, vector<16xf32>,
      %sub3A_131 = arith.subf %gather3A_123, %gather3A_119 : vector<16xf32>
      %mul3A_132 = arith.mulf %sub3A_131, %div3A_73 : vector<16xf32>
      %swap3A_133 = arith.index_cast %add3A_127 : i32 to index
      %swap3A_134 = tpu.vector_load %arg17[%swap3A_133] {strides = array<i32>} : memref<12288xf32, #tpu.memory_space<vmem>>, vector<16xf32>,
      tpu.vector_store %arg17[%swap3A_133], %mul3A_132 {strides = array<i32>} : memref<12288xf32, #tpu.memory_space<vmem>>, vector<16xf32>,
      %add3A_135 = arith.constant 48 : i32
      %add3A_136 = vector.broadcast %add3A_135 : i32 to vector<16xi32>
      %add3A_137 = arith.addi %sub3A_75, %add3A_136 : vector<16xi32>
      %add3A_138 = arith.addi %add3A_137, %iota3A : vector<16xi32>
      %gather3A_139 = tpu.vector_load_idx %arg13[%add3A_138] : memref<9728xf32, #tpu.memory_space<vmem>>[vector<16xi32>], vector<16xf32>,
      %add3A_140 = arith.constant 1 : i32
      %add3A_141 = vector.broadcast %add3A_140 : i32 to vector<16xi32>
      %add3A_142 = arith.addi %add3A_138, %add3A_141 : vector<16xi32>
      %gather3A_143 = tpu.vector_load_idx %arg13[%add3A_142] : memref<9728xf32, #tpu.memory_space<vmem>>[vector<16xi32>], vector<16xf32>,
      %mul3A_144 = arith.constant 128 : i32
      %mul3A_145 = arith.muli %scan3A_70, %mul3A_144 : i32
      %add3A_146 = arith.constant 48 : i32
      %add3A_147 = arith.addi %mul3A_145, %add3A_146 : i32
      %mul3A_148 = arith.mulf %gather3A_139, %div3A_73 : vector<16xf32>
      %swap3A_149 = arith.index_cast %add3A_147 : i32 to index
      %swap3A_150 = tpu.vector_load %arg16[%swap3A_149] {strides = array<i32>} : memref<12288xf32, #tpu.memory_space<vmem>>, vector<16xf32>,
      tpu.vector_store %arg16[%swap3A_149], %mul3A_148 {strides = array<i32>} : memref<12288xf32, #tpu.memory_space<vmem>>, vector<16xf32>,
      %sub3A_151 = arith.subf %gather3A_143, %gather3A_139 : vector<16xf32>
      %mul3A_152 = arith.mulf %sub3A_151, %div3A_73 : vector<16xf32>
      %swap3A_153 = arith.index_cast %add3A_147 : i32 to index
      %swap3A_154 = tpu.vector_load %arg17[%swap3A_153] {strides = array<i32>} : memref<12288xf32, #tpu.memory_space<vmem>>, vector<16xf32>,
      tpu.vector_store %arg17[%swap3A_153], %mul3A_152 {strides = array<i32>} : memref<12288xf32, #tpu.memory_space<vmem>>, vector<16xf32>,
      %add3A_155 = arith.constant 64 : i32
      %add3A_156 = vector.broadcast %add3A_155 : i32 to vector<16xi32>
      %add3A_157 = arith.addi %sub3A_75, %add3A_156 : vector<16xi32>
      %add3A_158 = arith.addi %add3A_157, %iota3A : vector<16xi32>
      %gather3A_159 = tpu.vector_load_idx %arg13[%add3A_158] : memref<9728xf32, #tpu.memory_space<vmem>>[vector<16xi32>], vector<16xf32>,
      %add3A_160 = arith.constant 1 : i32
      %add3A_161 = vector.broadcast %add3A_160 : i32 to vector<16xi32>
      %add3A_162 = arith.addi %add3A_158, %add3A_161 : vector<16xi32>
      %gather3A_163 = tpu.vector_load_idx %arg13[%add3A_162] : memref<9728xf32, #tpu.memory_space<vmem>>[vector<16xi32>], vector<16xf32>,
      %mul3A_164 = arith.constant 128 : i32
      %mul3A_165 = arith.muli %scan3A_70, %mul3A_164 : i32
      %add3A_166 = arith.constant 64 : i32
      %add3A_167 = arith.addi %mul3A_165, %add3A_166 : i32
      %mul3A_168 = arith.mulf %gather3A_159, %div3A_73 : vector<16xf32>
      %swap3A_169 = arith.index_cast %add3A_167 : i32 to index
      %swap3A_170 = tpu.vector_load %arg16[%swap3A_169] {strides = array<i32>} : memref<12288xf32, #tpu.memory_space<vmem>>, vector<16xf32>,
      tpu.vector_store %arg16[%swap3A_169], %mul3A_168 {strides = array<i32>} : memref<12288xf32, #tpu.memory_space<vmem>>, vector<16xf32>,
      %sub3A_171 = arith.subf %gather3A_163, %gather3A_159 : vector<16xf32>
      %mul3A_172 = arith.mulf %sub3A_171, %div3A_73 : vector<16xf32>
      %swap3A_173 = arith.index_cast %add3A_167 : i32 to index
      %swap3A_174 = tpu.vector_load %arg17[%swap3A_173] {strides = array<i32>} : memref<12288xf32, #tpu.memory_space<vmem>>, vector<16xf32>,
      tpu.vector_store %arg17[%swap3A_173], %mul3A_172 {strides = array<i32>} : memref<12288xf32, #tpu.memory_space<vmem>>, vector<16xf32>,
      %add3A_175 = arith.constant 80 : i32
      %add3A_176 = vector.broadcast %add3A_175 : i32 to vector<16xi32>
      %add3A_177 = arith.addi %sub3A_75, %add3A_176 : vector<16xi32>
      %add3A_178 = arith.addi %add3A_177, %iota3A : vector<16xi32>
      %gather3A_179 = tpu.vector_load_idx %arg13[%add3A_178] : memref<9728xf32, #tpu.memory_space<vmem>>[vector<16xi32>], vector<16xf32>,
      %add3A_180 = arith.constant 1 : i32
      %add3A_181 = vector.broadcast %add3A_180 : i32 to vector<16xi32>
      %add3A_182 = arith.addi %add3A_178, %add3A_181 : vector<16xi32>
      %gather3A_183 = tpu.vector_load_idx %arg13[%add3A_182] : memref<9728xf32, #tpu.memory_space<vmem>>[vector<16xi32>], vector<16xf32>,
      %mul3A_184 = arith.constant 128 : i32
      %mul3A_185 = arith.muli %scan3A_70, %mul3A_184 : i32
      %add3A_186 = arith.constant 80 : i32
      %add3A_187 = arith.addi %mul3A_185, %add3A_186 : i32
      %mul3A_188 = arith.mulf %gather3A_179, %div3A_73 : vector<16xf32>
      %swap3A_189 = arith.index_cast %add3A_187 : i32 to index
      %swap3A_190 = tpu.vector_load %arg16[%swap3A_189] {strides = array<i32>} : memref<12288xf32, #tpu.memory_space<vmem>>, vector<16xf32>,
      tpu.vector_store %arg16[%swap3A_189], %mul3A_188 {strides = array<i32>} : memref<12288xf32, #tpu.memory_space<vmem>>, vector<16xf32>,
      %sub3A_191 = arith.subf %gather3A_183, %gather3A_179 : vector<16xf32>
      %mul3A_192 = arith.mulf %sub3A_191, %div3A_73 : vector<16xf32>
      %swap3A_193 = arith.index_cast %add3A_187 : i32 to index
      %swap3A_194 = tpu.vector_load %arg17[%swap3A_193] {strides = array<i32>} : memref<12288xf32, #tpu.memory_space<vmem>>, vector<16xf32>,
      tpu.vector_store %arg17[%swap3A_193], %mul3A_192 {strides = array<i32>} : memref<12288xf32, #tpu.memory_space<vmem>>, vector<16xf32>,
      %add3A_195 = arith.constant 96 : i32
      %add3A_196 = vector.broadcast %add3A_195 : i32 to vector<16xi32>
      %add3A_197 = arith.addi %sub3A_75, %add3A_196 : vector<16xi32>
      %add3A_198 = arith.addi %add3A_197, %iota3A : vector<16xi32>
      %gather3A_199 = tpu.vector_load_idx %arg13[%add3A_198] : memref<9728xf32, #tpu.memory_space<vmem>>[vector<16xi32>], vector<16xf32>,
      %add3A_200 = arith.constant 1 : i32
      %add3A_201 = vector.broadcast %add3A_200 : i32 to vector<16xi32>
      %add3A_202 = arith.addi %add3A_198, %add3A_201 : vector<16xi32>
      %gather3A_203 = tpu.vector_load_idx %arg13[%add3A_202] : memref<9728xf32, #tpu.memory_space<vmem>>[vector<16xi32>], vector<16xf32>,
      %mul3A_204 = arith.constant 128 : i32
      %mul3A_205 = arith.muli %scan3A_70, %mul3A_204 : i32
      %add3A_206 = arith.constant 96 : i32
      %add3A_207 = arith.addi %mul3A_205, %add3A_206 : i32
      %mul3A_208 = arith.mulf %gather3A_199, %div3A_73 : vector<16xf32>
      %swap3A_209 = arith.index_cast %add3A_207 : i32 to index
      %swap3A_210 = tpu.vector_load %arg16[%swap3A_209] {strides = array<i32>} : memref<12288xf32, #tpu.memory_space<vmem>>, vector<16xf32>,
      tpu.vector_store %arg16[%swap3A_209], %mul3A_208 {strides = array<i32>} : memref<12288xf32, #tpu.memory_space<vmem>>, vector<16xf32>,
      %sub3A_211 = arith.subf %gather3A_203, %gather3A_199 : vector<16xf32>
      %mul3A_212 = arith.mulf %sub3A_211, %div3A_73 : vector<16xf32>
      %swap3A_213 = arith.index_cast %add3A_207 : i32 to index
      %swap3A_214 = tpu.vector_load %arg17[%swap3A_213] {strides = array<i32>} : memref<12288xf32, #tpu.memory_space<vmem>>, vector<16xf32>,
      tpu.vector_store %arg17[%swap3A_213], %mul3A_212 {strides = array<i32>} : memref<12288xf32, #tpu.memory_space<vmem>>, vector<16xf32>,
      %add3A_215 = arith.constant 112 : i32
      %add3A_216 = vector.broadcast %add3A_215 : i32 to vector<16xi32>
      %add3A_217 = arith.addi %sub3A_75, %add3A_216 : vector<16xi32>
      %add3A_218 = arith.addi %add3A_217, %iota3A : vector<16xi32>
      %gather3A_219 = tpu.vector_load_idx %arg13[%add3A_218] : memref<9728xf32, #tpu.memory_space<vmem>>[vector<16xi32>], vector<16xf32>,
      %add3A_220 = arith.constant 1 : i32
      %add3A_221 = vector.broadcast %add3A_220 : i32 to vector<16xi32>
      %add3A_222 = arith.addi %add3A_218, %add3A_221 : vector<16xi32>
      %gather3A_223 = tpu.vector_load_idx %arg13[%add3A_222] : memref<9728xf32, #tpu.memory_space<vmem>>[vector<16xi32>], vector<16xf32>,
      %mul3A_224 = arith.constant 128 : i32
      %mul3A_225 = arith.muli %scan3A_70, %mul3A_224 : i32
      %add3A_226 = arith.constant 112 : i32
      %add3A_227 = arith.addi %mul3A_225, %add3A_226 : i32
      %mul3A_228 = arith.mulf %gather3A_219, %div3A_73 : vector<16xf32>
      %swap3A_229 = arith.index_cast %add3A_227 : i32 to index
      %swap3A_230 = tpu.vector_load %arg16[%swap3A_229] {strides = array<i32>} : memref<12288xf32, #tpu.memory_space<vmem>>, vector<16xf32>,
      tpu.vector_store %arg16[%swap3A_229], %mul3A_228 {strides = array<i32>} : memref<12288xf32, #tpu.memory_space<vmem>>, vector<16xf32>,
      %sub3A_231 = arith.subf %gather3A_223, %gather3A_219 : vector<16xf32>
      %mul3A_232 = arith.mulf %sub3A_231, %div3A_73 : vector<16xf32>
      %swap3A_233 = arith.index_cast %add3A_227 : i32 to index
      %swap3A_234 = tpu.vector_load %arg17[%swap3A_233] {strides = array<i32>} : memref<12288xf32, #tpu.memory_space<vmem>>, vector<16xf32>,
      tpu.vector_store %arg17[%swap3A_233], %mul3A_232 {strides = array<i32>} : memref<12288xf32, #tpu.memory_space<vmem>>, vector<16xf32>,
    }
    %scan3A_34 = arith.constant 96 : i32
    %scan3A_35 = arith.constant 0 : i32
    %scan3A_36 = arith.constant 0 : i32
    %scan3A_37 = arith.constant 16 : i32
    %scan3A_38 = arith.addi %scan3A_36, %scan3A_37 : i32
    %scan3A_39 = arith.constant 1 : i32
    scf.for %scan3A_70 = %scan3A_36 to %scan3A_38 step %scan3A_39  : i32 {
      %mul3A_71 = arith.constant 3 : i32
      %mul3A_72 = arith.muli %scan3A_70, %mul3A_71 : i32
      %add3A_73 = arith.constant 0 : i32
      %add3A_74 = arith.addi %mul3A_72, %add3A_73 : i32
      %mul3A_75 = arith.constant 48 : i32
      %mul3A_76 = arith.muli %add3A, %mul3A_75 : i32
      %add3A_77 = arith.addi %mul3A_76, %add3A_74 : i32
      %dma_wait3A_78 = arith.constant 0 : i32
      %dma_wait3A_79 = tpu.memref_slice %arg2[%add3A_77, %dma_wait3A_78] : memref<1536x12544xf32, #tpu.memory_space<hbm>> -> memref<1x12544xf32, #tpu.memory_space<hbm>>
      %dma_wait3A_80 = tpu.memref_squeeze %dma_wait3A_79 : memref<1x12544xf32, #tpu.memory_space<hbm>> -> memref<12544xf32, #tpu.memory_space<hbm>>
      %dma_wait3A_81 = arith.constant 0 : i32
      %dma_wait3A_82 = tpu.memref_slice %arg2[%add3A_77, %dma_wait3A_81] : memref<1536x12544xf32, #tpu.memory_space<hbm>> -> memref<1x12544xf32, #tpu.memory_space<hbm>>
      %dma_wait3A_83 = tpu.memref_squeeze %dma_wait3A_82 : memref<1x12544xf32, #tpu.memory_space<hbm>> -> memref<12544xf32, #tpu.memory_space<hbm>>
      tpu.wait_dma2 semaphore(%arg18 : memref<!tpu.dma_semaphore, #tpu.memory_space<semaphore_mem>>) src(%dma_wait3A_83 : memref<12544xf32, #tpu.memory_space<hbm>>) dst(%arg7 : memref<12544xf32, #tpu.memory_space<vmem>>)
      %ge3A = arith.constant 3 : i32
      %ge3A_84 = arith.cmpi sge, %add3A_74, %ge3A : i32
      %convert_element_type3A = arith.extui %ge3A_84 : i1 to i32
      %cond3A = arith.constant 0 : i32
      %cond3A_85 = arith.cmpi ne, %convert_element_type3A, %cond3A : i32
      scf.if %cond3A_85 {
        %sub3A_315 = arith.constant 3 : i32
        %sub3A_316 = arith.subi %add3A_74, %sub3A_315 : i32
        %mul3A_317 = arith.constant 48 : i32
        %mul3A_318 = arith.muli %add3A, %mul3A_317 : i32
        %add3A_319 = arith.addi %mul3A_318, %sub3A_316 : i32
        %dma_wait3A_320 = arith.constant 0 : i32
        %dma_wait3A_321 = tpu.memref_slice %arg6[%add3A_319, %dma_wait3A_320] : memref<1536x12544xf32, #tpu.memory_space<hbm>> -> memref<1x12544xf32, #tpu.memory_space<hbm>>
        %dma_wait3A_322 = tpu.memref_squeeze %dma_wait3A_321 : memref<1x12544xf32, #tpu.memory_space<hbm>> -> memref<12544xf32, #tpu.memory_space<hbm>>
        %dma_wait3A_323 = arith.constant 0 : i32
        %dma_wait3A_324 = tpu.memref_slice %arg6[%add3A_319, %dma_wait3A_323] : memref<1536x12544xf32, #tpu.memory_space<hbm>> -> memref<1x12544xf32, #tpu.memory_space<hbm>>
        %dma_wait3A_325 = tpu.memref_squeeze %dma_wait3A_324 : memref<1x12544xf32, #tpu.memory_space<hbm>> -> memref<12544xf32, #tpu.memory_space<hbm>>
        tpu.wait_dma2 semaphore(%arg21 : memref<!tpu.dma_semaphore, #tpu.memory_space<semaphore_mem>>) src(%arg10 : memref<12544xf32, #tpu.memory_space<vmem>>) dst(%dma_wait3A_325 : memref<12544xf32, #tpu.memory_space<hbm>>)
      } else {
      }
      %mul3A_86 = arith.constant 48 : i32
      %mul3A_87 = arith.muli %add3A, %mul3A_86 : i32
      %add3A_88 = arith.addi %mul3A_87, %add3A_74 : i32
      %jit3A = arith.constant 4 : i32
      %div3A = arith.divsi %add3A_88, %jit3A : i32
      %sign3A = arith.constant 0 : i32
      %sign3A_89 = arith.cmpi sgt, %add3A_88, %sign3A : i32
      %sign3A_90 = arith.extui %sign3A_89 : i1 to i32
      %sign3A_91 = arith.constant 0 : i32
      %sign3A_92 = arith.cmpi slt, %add3A_88, %sign3A_91 : i32
      %sign3A_93 = arith.extui %sign3A_92 : i1 to i32
      %sign3A_94 = arith.subi %sign3A_90, %sign3A_93 : i32
      %sign3A_95 = arith.constant 0 : i32
      %sign3A_96 = arith.cmpi sgt, %jit3A, %sign3A_95 : i32
      %sign3A_97 = arith.extui %sign3A_96 : i1 to i32
      %sign3A_98 = arith.constant 0 : i32
      %sign3A_99 = arith.cmpi slt, %jit3A, %sign3A_98 : i32
      %sign3A_100 = arith.extui %sign3A_99 : i1 to i32
      %sign3A_101 = arith.subi %sign3A_97, %sign3A_100 : i32
      %ne3A = arith.cmpi ne, %sign3A_94, %sign3A_101 : i32
      %rem3A = arith.remsi %add3A_88, %jit3A : i32
      %ne3A_102 = arith.constant 0 : i32
      %ne3A_103 = arith.cmpi ne, %rem3A, %ne3A_102 : i32
      %and3A = arith.andi %ne3A, %ne3A_103 : i1
      %sub3A = arith.constant 1 : i32
      %sub3A_104 = arith.subi %div3A, %sub3A : i32
      %select_n3A = arith.select %and3A, %sub3A_104, %div3A : i32
      %jit3A_105 = arith.constant 96 : i32
      %eq3A = arith.constant 0 : i32
      %eq3A_106 = arith.cmpi eq, %jit3A_105, %eq3A : i32
      %jit3A_107 = arith.constant 1 : i32
      %select_n3A_108 = arith.select %eq3A_106, %jit3A_107, %jit3A_105 : i32
      %rem3A_109 = arith.remsi %select_n3A, %select_n3A_108 : i32
      %ne3A_110 = arith.constant 0 : i32
      %ne3A_111 = arith.cmpi ne, %rem3A_109, %ne3A_110 : i32
      %lt3A = arith.constant 0 : i32
      %lt3A_112 = arith.cmpi slt, %rem3A_109, %lt3A : i32
      %lt3A_113 = arith.constant 0 : i32
      %lt3A_114 = arith.cmpi slt, %select_n3A_108, %lt3A_113 : i32
      %ne3A_115 = arith.xori %lt3A_112, %lt3A_114 : i1
      %and3A_116 = arith.andi %ne3A_115, %ne3A_111 : i1
      %add3A_117 = arith.addi %rem3A_109, %select_n3A_108 : i32
      %select_n3A_118 = arith.select %and3A_116, %add3A_117, %rem3A_109 : i32
      %broadcast_in_dim3A = vector.broadcast %select_n3A_118 : i32 to vector<16xi32>
      %gather3A = tpu.vector_load_idx %arg14[%broadcast_in_dim3A] : memref<128xf32, #tpu.memory_space<vmem>>[vector<16xi32>], vector<16xf32>,
      %mul3A_119 = arith.constant 1.250000e+01 : f32
      %mul3A_120 = vector.broadcast %mul3A_119 : f32 to vector<16xf32>
      %mul3A_121 = arith.mulf %gather3A, %mul3A_120 : vector<16xf32>
      %mul3A_122 = arith.constant 128 : i32
      %mul3A_123 = arith.muli %select_n3A_118, %mul3A_122 : i32
      %broadcast_in_dim3A_124 = vector.broadcast %mul3A_123 : i32 to vector<16xi32>
      %parallel_loop3A = arith.constant 0 : i32
      %parallel_loop3A_125 = arith.constant 784 : i32
      %parallel_loop3A_126 = arith.constant 1 : i32
      scf.for %parallel_loop3A_315 = %parallel_loop3A to %parallel_loop3A_125 step %parallel_loop3A_126  : i32 {
        %parallel_loop3A_316 = arith.constant 16 : i32
        %parallel_loop3A_317 = arith.muli %parallel_loop3A_315, %parallel_loop3A_316 : i32
        %parallel_loop3A_318 = arith.index_cast %parallel_loop3A_317 : i32 to index
        %parallel_loop3A_319 = tpu.vector_load %arg7[%parallel_loop3A_318] {strides = array<i32>} : memref<12544xf32, #tpu.memory_space<vmem>>, vector<16xf32>,
        %parallel_loop3A_320 = arith.mulf %parallel_loop3A_319, %mul3A_121 : vector<16xf32>
        %parallel_loop3A_321 = arith.constant 5.000000e+01 : f32
        %parallel_loop3A_322 = vector.broadcast %parallel_loop3A_321 : f32 to vector<16xf32>
        %parallel_loop3A_323 = arith.addf %parallel_loop3A_320, %parallel_loop3A_322 : vector<16xf32>
        %parallel_loop3A_324 = arith.constant 0.000000e+00 : f32
        %parallel_loop3A_325 = arith.constant 9.900000e+01 : f32
        %parallel_loop3A_326 = vector.broadcast %parallel_loop3A_324 : f32 to vector<16xf32>
        %parallel_loop3A_327 = arith.maximumf %parallel_loop3A_326, %parallel_loop3A_323 : vector<16xf32>
        %parallel_loop3A_328 = vector.broadcast %parallel_loop3A_325 : f32 to vector<16xf32>
        %parallel_loop3A_329 = arith.minimumf %parallel_loop3A_328, %parallel_loop3A_327 : vector<16xf32>
        %parallel_loop3A_330 = arith.fptosi %parallel_loop3A_329 : vector<16xf32> to vector<16xi32>
        %parallel_loop3A_331 = arith.sitofp %parallel_loop3A_330 : vector<16xi32> to vector<16xf32>
        %parallel_loop3A_332 = arith.subf %parallel_loop3A_323, %parallel_loop3A_331 : vector<16xf32>
        %parallel_loop3A_333 = arith.addi %broadcast_in_dim3A_124, %parallel_loop3A_330 : vector<16xi32>
        %parallel_loop3A_334 = tpu.vector_load_idx %arg16[%parallel_loop3A_333] : memref<12288xf32, #tpu.memory_space<vmem>>[vector<16xi32>], vector<16xf32>,
        %parallel_loop3A_335 = tpu.vector_load_idx %arg17[%parallel_loop3A_333] : memref<12288xf32, #tpu.memory_space<vmem>>[vector<16xi32>], vector<16xf32>,
        %parallel_loop3A_336 = arith.mulf %parallel_loop3A_332, %parallel_loop3A_335 : vector<16xf32>
        %parallel_loop3A_337 = arith.addf %parallel_loop3A_334, %parallel_loop3A_336 : vector<16xf32>
        %parallel_loop3A_338 = arith.constant 16 : i32
        %parallel_loop3A_339 = arith.muli %parallel_loop3A_315, %parallel_loop3A_338 : i32
        %parallel_loop3A_340 = arith.index_cast %parallel_loop3A_339 : i32 to index
        %parallel_loop3A_341 = tpu.vector_load %arg10[%parallel_loop3A_340] {strides = array<i32>} : memref<12544xf32, #tpu.memory_space<vmem>>, vector<16xf32>,
        tpu.vector_store %arg10[%parallel_loop3A_340], %parallel_loop3A_337 {strides = array<i32>} : memref<12544xf32, #tpu.memory_space<vmem>>, vector<16xf32>,
      } {sc.loop_unroll_factor = 8 : i64, sc.parallel_access}
      %mul3A_127 = arith.constant 48 : i32
      %mul3A_128 = arith.muli %add3A, %mul3A_127 : i32
      %add3A_129 = arith.addi %mul3A_128, %add3A_74 : i32
      %dma_start3A_130 = arith.constant 0 : i32
      %dma_start3A_131 = tpu.memref_slice %arg6[%add3A_129, %dma_start3A_130] : memref<1536x12544xf32, #tpu.memory_space<hbm>> -> memref<1x12544xf32, #tpu.memory_space<hbm>>
      %dma_start3A_132 = tpu.memref_squeeze %dma_start3A_131 : memref<1x12544xf32, #tpu.memory_space<hbm>> -> memref<12544xf32, #tpu.memory_space<hbm>>
      %dma_start3A_133 = arith.constant 0 : i32
      %dma_start3A_134 = tpu.memref_slice %arg6[%add3A_129, %dma_start3A_133] : memref<1536x12544xf32, #tpu.memory_space<hbm>> -> memref<1x12544xf32, #tpu.memory_space<hbm>>
      %dma_start3A_135 = tpu.memref_squeeze %dma_start3A_134 : memref<1x12544xf32, #tpu.memory_space<hbm>> -> memref<12544xf32, #tpu.memory_space<hbm>>
      tpu.enqueue_dma source(%arg10 : memref<12544xf32, #tpu.memory_space<vmem>>) target(%dma_start3A_135 : memref<12544xf32, #tpu.memory_space<hbm>>) target_semaphore(%arg21 : memref<!tpu.dma_semaphore, #tpu.memory_space<semaphore_mem>>)
      %add3A_136 = arith.constant 3 : i32
      %add3A_137 = arith.addi %add3A_74, %add3A_136 : i32
      %lt3A_138 = arith.constant 48 : i32
      %lt3A_139 = arith.cmpi slt, %add3A_137, %lt3A_138 : i32
      %convert_element_type3A_140 = arith.extui %lt3A_139 : i1 to i32
      %cond3A_141 = arith.constant 0 : i32
      %cond3A_142 = arith.cmpi ne, %convert_element_type3A_140, %cond3A_141 : i32
      scf.if %cond3A_142 {
        %add3A_315 = arith.constant 3 : i32
        %add3A_316 = arith.addi %add3A_74, %add3A_315 : i32
        %mul3A_317 = arith.constant 48 : i32
        %mul3A_318 = arith.muli %add3A, %mul3A_317 : i32
        %add3A_319 = arith.addi %mul3A_318, %add3A_316 : i32
        %dma_start3A_320 = arith.constant 0 : i32
        %dma_start3A_321 = tpu.memref_slice %arg2[%add3A_319, %dma_start3A_320] : memref<1536x12544xf32, #tpu.memory_space<hbm>> -> memref<1x12544xf32, #tpu.memory_space<hbm>>
        %dma_start3A_322 = tpu.memref_squeeze %dma_start3A_321 : memref<1x12544xf32, #tpu.memory_space<hbm>> -> memref<12544xf32, #tpu.memory_space<hbm>>
        %dma_start3A_323 = arith.constant 0 : i32
        %dma_start3A_324 = tpu.memref_slice %arg2[%add3A_319, %dma_start3A_323] : memref<1536x12544xf32, #tpu.memory_space<hbm>> -> memref<1x12544xf32, #tpu.memory_space<hbm>>
        %dma_start3A_325 = tpu.memref_squeeze %dma_start3A_324 : memref<1x12544xf32, #tpu.memory_space<hbm>> -> memref<12544xf32, #tpu.memory_space<hbm>>
        tpu.enqueue_dma source(%dma_start3A_325 : memref<12544xf32, #tpu.memory_space<hbm>>) target(%arg7 : memref<12544xf32, #tpu.memory_space<vmem>>) target_semaphore(%arg18 : memref<!tpu.dma_semaphore, #tpu.memory_space<semaphore_mem>>)
      } else {
      }
      %add3A_143 = arith.constant 1 : i32
      %add3A_144 = arith.addi %mul3A_72, %add3A_143 : i32
      %mul3A_145 = arith.constant 48 : i32
      %mul3A_146 = arith.muli %add3A, %mul3A_145 : i32
      %add3A_147 = arith.addi %mul3A_146, %add3A_144 : i32
      %dma_wait3A_148 = arith.constant 0 : i32
      %dma_wait3A_149 = tpu.memref_slice %arg2[%add3A_147, %dma_wait3A_148] : memref<1536x12544xf32, #tpu.memory_space<hbm>> -> memref<1x12544xf32, #tpu.memory_space<hbm>>
      %dma_wait3A_150 = tpu.memref_squeeze %dma_wait3A_149 : memref<1x12544xf32, #tpu.memory_space<hbm>> -> memref<12544xf32, #tpu.memory_space<hbm>>
      %dma_wait3A_151 = arith.constant 0 : i32
      %dma_wait3A_152 = tpu.memref_slice %arg2[%add3A_147, %dma_wait3A_151] : memref<1536x12544xf32, #tpu.memory_space<hbm>> -> memref<1x12544xf32, #tpu.memory_space<hbm>>
      %dma_wait3A_153 = tpu.memref_squeeze %dma_wait3A_152 : memref<1x12544xf32, #tpu.memory_space<hbm>> -> memref<12544xf32, #tpu.memory_space<hbm>>
      tpu.wait_dma2 semaphore(%arg19 : memref<!tpu.dma_semaphore, #tpu.memory_space<semaphore_mem>>) src(%dma_wait3A_153 : memref<12544xf32, #tpu.memory_space<hbm>>) dst(%arg8 : memref<12544xf32, #tpu.memory_space<vmem>>)
      %ge3A_154 = arith.constant 3 : i32
      %ge3A_155 = arith.cmpi sge, %add3A_144, %ge3A_154 : i32
      %convert_element_type3A_156 = arith.extui %ge3A_155 : i1 to i32
      %cond3A_157 = arith.constant 0 : i32
      %cond3A_158 = arith.cmpi ne, %convert_element_type3A_156, %cond3A_157 : i32
      scf.if %cond3A_158 {
        %sub3A_315 = arith.constant 3 : i32
        %sub3A_316 = arith.subi %add3A_144, %sub3A_315 : i32
        %mul3A_317 = arith.constant 48 : i32
        %mul3A_318 = arith.muli %add3A, %mul3A_317 : i32
        %add3A_319 = arith.addi %mul3A_318, %sub3A_316 : i32
        %dma_wait3A_320 = arith.constant 0 : i32
        %dma_wait3A_321 = tpu.memref_slice %arg6[%add3A_319, %dma_wait3A_320] : memref<1536x12544xf32, #tpu.memory_space<hbm>> -> memref<1x12544xf32, #tpu.memory_space<hbm>>
        %dma_wait3A_322 = tpu.memref_squeeze %dma_wait3A_321 : memref<1x12544xf32, #tpu.memory_space<hbm>> -> memref<12544xf32, #tpu.memory_space<hbm>>
        %dma_wait3A_323 = arith.constant 0 : i32
        %dma_wait3A_324 = tpu.memref_slice %arg6[%add3A_319, %dma_wait3A_323] : memref<1536x12544xf32, #tpu.memory_space<hbm>> -> memref<1x12544xf32, #tpu.memory_space<hbm>>
        %dma_wait3A_325 = tpu.memref_squeeze %dma_wait3A_324 : memref<1x12544xf32, #tpu.memory_space<hbm>> -> memref<12544xf32, #tpu.memory_space<hbm>>
        tpu.wait_dma2 semaphore(%arg22 : memref<!tpu.dma_semaphore, #tpu.memory_space<semaphore_mem>>) src(%arg11 : memref<12544xf32, #tpu.memory_space<vmem>>) dst(%dma_wait3A_325 : memref<12544xf32, #tpu.memory_space<hbm>>)
      } else {
      }
      %mul3A_159 = arith.constant 48 : i32
      %mul3A_160 = arith.muli %add3A, %mul3A_159 : i32
      %add3A_161 = arith.addi %mul3A_160, %add3A_144 : i32
      %jit3A_162 = arith.constant 4 : i32
      %div3A_163 = arith.divsi %add3A_161, %jit3A_162 : i32
      %sign3A_164 = arith.constant 0 : i32
      %sign3A_165 = arith.cmpi sgt, %add3A_161, %sign3A_164 : i32
      %sign3A_166 = arith.extui %sign3A_165 : i1 to i32
      %sign3A_167 = arith.constant 0 : i32
      %sign3A_168 = arith.cmpi slt, %add3A_161, %sign3A_167 : i32
      %sign3A_169 = arith.extui %sign3A_168 : i1 to i32
      %sign3A_170 = arith.subi %sign3A_166, %sign3A_169 : i32
      %sign3A_171 = arith.constant 0 : i32
      %sign3A_172 = arith.cmpi sgt, %jit3A_162, %sign3A_171 : i32
      %sign3A_173 = arith.extui %sign3A_172 : i1 to i32
      %sign3A_174 = arith.constant 0 : i32
      %sign3A_175 = arith.cmpi slt, %jit3A_162, %sign3A_174 : i32
      %sign3A_176 = arith.extui %sign3A_175 : i1 to i32
      %sign3A_177 = arith.subi %sign3A_173, %sign3A_176 : i32
      %ne3A_178 = arith.cmpi ne, %sign3A_170, %sign3A_177 : i32
      %rem3A_179 = arith.remsi %add3A_161, %jit3A_162 : i32
      %ne3A_180 = arith.constant 0 : i32
      %ne3A_181 = arith.cmpi ne, %rem3A_179, %ne3A_180 : i32
      %and3A_182 = arith.andi %ne3A_178, %ne3A_181 : i1
      %sub3A_183 = arith.constant 1 : i32
      %sub3A_184 = arith.subi %div3A_163, %sub3A_183 : i32
      %select_n3A_185 = arith.select %and3A_182, %sub3A_184, %div3A_163 : i32
      %jit3A_186 = arith.constant 96 : i32
      %eq3A_187 = arith.constant 0 : i32
      %eq3A_188 = arith.cmpi eq, %jit3A_186, %eq3A_187 : i32
      %jit3A_189 = arith.constant 1 : i32
      %select_n3A_190 = arith.select %eq3A_188, %jit3A_189, %jit3A_186 : i32
      %rem3A_191 = arith.remsi %select_n3A_185, %select_n3A_190 : i32
      %ne3A_192 = arith.constant 0 : i32
      %ne3A_193 = arith.cmpi ne, %rem3A_191, %ne3A_192 : i32
      %lt3A_194 = arith.constant 0 : i32
      %lt3A_195 = arith.cmpi slt, %rem3A_191, %lt3A_194 : i32
      %lt3A_196 = arith.constant 0 : i32
      %lt3A_197 = arith.cmpi slt, %select_n3A_190, %lt3A_196 : i32
      %ne3A_198 = arith.xori %lt3A_195, %lt3A_197 : i1
      %and3A_199 = arith.andi %ne3A_198, %ne3A_193 : i1
      %add3A_200 = arith.addi %rem3A_191, %select_n3A_190 : i32
      %select_n3A_201 = arith.select %and3A_199, %add3A_200, %rem3A_191 : i32
      %broadcast_in_dim3A_202 = vector.broadcast %select_n3A_201 : i32 to vector<16xi32>
      %gather3A_203 = tpu.vector_load_idx %arg14[%broadcast_in_dim3A_202] : memref<128xf32, #tpu.memory_space<vmem>>[vector<16xi32>], vector<16xf32>,
      %mul3A_204 = arith.constant 1.250000e+01 : f32
      %mul3A_205 = vector.broadcast %mul3A_204 : f32 to vector<16xf32>
      %mul3A_206 = arith.mulf %gather3A_203, %mul3A_205 : vector<16xf32>
      %mul3A_207 = arith.constant 128 : i32
      %mul3A_208 = arith.muli %select_n3A_201, %mul3A_207 : i32
      %broadcast_in_dim3A_209 = vector.broadcast %mul3A_208 : i32 to vector<16xi32>
      %parallel_loop3A_210 = arith.constant 0 : i32
      %parallel_loop3A_211 = arith.constant 784 : i32
      %parallel_loop3A_212 = arith.constant 1 : i32
      scf.for %parallel_loop3A_315 = %parallel_loop3A_210 to %parallel_loop3A_211 step %parallel_loop3A_212  : i32 {
        %parallel_loop3A_316 = arith.constant 16 : i32
        %parallel_loop3A_317 = arith.muli %parallel_loop3A_315, %parallel_loop3A_316 : i32
        %parallel_loop3A_318 = arith.index_cast %parallel_loop3A_317 : i32 to index
        %parallel_loop3A_319 = tpu.vector_load %arg8[%parallel_loop3A_318] {strides = array<i32>} : memref<12544xf32, #tpu.memory_space<vmem>>, vector<16xf32>,
        %parallel_loop3A_320 = arith.mulf %parallel_loop3A_319, %mul3A_206 : vector<16xf32>
        %parallel_loop3A_321 = arith.constant 5.000000e+01 : f32
        %parallel_loop3A_322 = vector.broadcast %parallel_loop3A_321 : f32 to vector<16xf32>
        %parallel_loop3A_323 = arith.addf %parallel_loop3A_320, %parallel_loop3A_322 : vector<16xf32>
        %parallel_loop3A_324 = arith.constant 0.000000e+00 : f32
        %parallel_loop3A_325 = arith.constant 9.900000e+01 : f32
        %parallel_loop3A_326 = vector.broadcast %parallel_loop3A_324 : f32 to vector<16xf32>
        %parallel_loop3A_327 = arith.maximumf %parallel_loop3A_326, %parallel_loop3A_323 : vector<16xf32>
        %parallel_loop3A_328 = vector.broadcast %parallel_loop3A_325 : f32 to vector<16xf32>
        %parallel_loop3A_329 = arith.minimumf %parallel_loop3A_328, %parallel_loop3A_327 : vector<16xf32>
        %parallel_loop3A_330 = arith.fptosi %parallel_loop3A_329 : vector<16xf32> to vector<16xi32>
        %parallel_loop3A_331 = arith.sitofp %parallel_loop3A_330 : vector<16xi32> to vector<16xf32>
        %parallel_loop3A_332 = arith.subf %parallel_loop3A_323, %parallel_loop3A_331 : vector<16xf32>
        %parallel_loop3A_333 = arith.addi %broadcast_in_dim3A_209, %parallel_loop3A_330 : vector<16xi32>
        %parallel_loop3A_334 = tpu.vector_load_idx %arg16[%parallel_loop3A_333] : memref<12288xf32, #tpu.memory_space<vmem>>[vector<16xi32>], vector<16xf32>,
        %parallel_loop3A_335 = tpu.vector_load_idx %arg17[%parallel_loop3A_333] : memref<12288xf32, #tpu.memory_space<vmem>>[vector<16xi32>], vector<16xf32>,
        %parallel_loop3A_336 = arith.mulf %parallel_loop3A_332, %parallel_loop3A_335 : vector<16xf32>
        %parallel_loop3A_337 = arith.addf %parallel_loop3A_334, %parallel_loop3A_336 : vector<16xf32>
        %parallel_loop3A_338 = arith.constant 16 : i32
        %parallel_loop3A_339 = arith.muli %parallel_loop3A_315, %parallel_loop3A_338 : i32
        %parallel_loop3A_340 = arith.index_cast %parallel_loop3A_339 : i32 to index
        %parallel_loop3A_341 = tpu.vector_load %arg11[%parallel_loop3A_340] {strides = array<i32>} : memref<12544xf32, #tpu.memory_space<vmem>>, vector<16xf32>,
        tpu.vector_store %arg11[%parallel_loop3A_340], %parallel_loop3A_337 {strides = array<i32>} : memref<12544xf32, #tpu.memory_space<vmem>>, vector<16xf32>,
      } {sc.loop_unroll_factor = 8 : i64, sc.parallel_access}
      %mul3A_213 = arith.constant 48 : i32
      %mul3A_214 = arith.muli %add3A, %mul3A_213 : i32
      %add3A_215 = arith.addi %mul3A_214, %add3A_144 : i32
      %dma_start3A_216 = arith.constant 0 : i32
      %dma_start3A_217 = tpu.memref_slice %arg6[%add3A_215, %dma_start3A_216] : memref<1536x12544xf32, #tpu.memory_space<hbm>> -> memref<1x12544xf32, #tpu.memory_space<hbm>>
      %dma_start3A_218 = tpu.memref_squeeze %dma_start3A_217 : memref<1x12544xf32, #tpu.memory_space<hbm>> -> memref<12544xf32, #tpu.memory_space<hbm>>
      %dma_start3A_219 = arith.constant 0 : i32
      %dma_start3A_220 = tpu.memref_slice %arg6[%add3A_215, %dma_start3A_219] : memref<1536x12544xf32, #tpu.memory_space<hbm>> -> memref<1x12544xf32, #tpu.memory_space<hbm>>
      %dma_start3A_221 = tpu.memref_squeeze %dma_start3A_220 : memref<1x12544xf32, #tpu.memory_space<hbm>> -> memref<12544xf32, #tpu.memory_space<hbm>>
      tpu.enqueue_dma source(%arg11 : memref<12544xf32, #tpu.memory_space<vmem>>) target(%dma_start3A_221 : memref<12544xf32, #tpu.memory_space<hbm>>) target_semaphore(%arg22 : memref<!tpu.dma_semaphore, #tpu.memory_space<semaphore_mem>>)
      %add3A_222 = arith.constant 3 : i32
      %add3A_223 = arith.addi %add3A_144, %add3A_222 : i32
      %lt3A_224 = arith.constant 48 : i32
      %lt3A_225 = arith.cmpi slt, %add3A_223, %lt3A_224 : i32
      %convert_element_type3A_226 = arith.extui %lt3A_225 : i1 to i32
      %cond3A_227 = arith.constant 0 : i32
      %cond3A_228 = arith.cmpi ne, %convert_element_type3A_226, %cond3A_227 : i32
      scf.if %cond3A_228 {
        %add3A_315 = arith.constant 3 : i32
        %add3A_316 = arith.addi %add3A_144, %add3A_315 : i32
        %mul3A_317 = arith.constant 48 : i32
        %mul3A_318 = arith.muli %add3A, %mul3A_317 : i32
        %add3A_319 = arith.addi %mul3A_318, %add3A_316 : i32
        %dma_start3A_320 = arith.constant 0 : i32
        %dma_start3A_321 = tpu.memref_slice %arg2[%add3A_319, %dma_start3A_320] : memref<1536x12544xf32, #tpu.memory_space<hbm>> -> memref<1x12544xf32, #tpu.memory_space<hbm>>
        %dma_start3A_322 = tpu.memref_squeeze %dma_start3A_321 : memref<1x12544xf32, #tpu.memory_space<hbm>> -> memref<12544xf32, #tpu.memory_space<hbm>>
        %dma_start3A_323 = arith.constant 0 : i32
        %dma_start3A_324 = tpu.memref_slice %arg2[%add3A_319, %dma_start3A_323] : memref<1536x12544xf32, #tpu.memory_space<hbm>> -> memref<1x12544xf32, #tpu.memory_space<hbm>>
        %dma_start3A_325 = tpu.memref_squeeze %dma_start3A_324 : memref<1x12544xf32, #tpu.memory_space<hbm>> -> memref<12544xf32, #tpu.memory_space<hbm>>
        tpu.enqueue_dma source(%dma_start3A_325 : memref<12544xf32, #tpu.memory_space<hbm>>) target(%arg8 : memref<12544xf32, #tpu.memory_space<vmem>>) target_semaphore(%arg19 : memref<!tpu.dma_semaphore, #tpu.memory_space<semaphore_mem>>)
      } else {
      }
      %add3A_229 = arith.constant 2 : i32
      %add3A_230 = arith.addi %mul3A_72, %add3A_229 : i32
      %mul3A_231 = arith.constant 48 : i32
      %mul3A_232 = arith.muli %add3A, %mul3A_231 : i32
      %add3A_233 = arith.addi %mul3A_232, %add3A_230 : i32
      %dma_wait3A_234 = arith.constant 0 : i32
      %dma_wait3A_235 = tpu.memref_slice %arg2[%add3A_233, %dma_wait3A_234] : memref<1536x12544xf32, #tpu.memory_space<hbm>> -> memref<1x12544xf32, #tpu.memory_space<hbm>>
      %dma_wait3A_236 = tpu.memref_squeeze %dma_wait3A_235 : memref<1x12544xf32, #tpu.memory_space<hbm>> -> memref<12544xf32, #tpu.memory_space<hbm>>
      %dma_wait3A_237 = arith.constant 0 : i32
      %dma_wait3A_238 = tpu.memref_slice %arg2[%add3A_233, %dma_wait3A_237] : memref<1536x12544xf32, #tpu.memory_space<hbm>> -> memref<1x12544xf32, #tpu.memory_space<hbm>>
      %dma_wait3A_239 = tpu.memref_squeeze %dma_wait3A_238 : memref<1x12544xf32, #tpu.memory_space<hbm>> -> memref<12544xf32, #tpu.memory_space<hbm>>
      tpu.wait_dma2 semaphore(%arg20 : memref<!tpu.dma_semaphore, #tpu.memory_space<semaphore_mem>>) src(%dma_wait3A_239 : memref<12544xf32, #tpu.memory_space<hbm>>) dst(%arg9 : memref<12544xf32, #tpu.memory_space<vmem>>)
      %ge3A_240 = arith.constant 3 : i32
      %ge3A_241 = arith.cmpi sge, %add3A_230, %ge3A_240 : i32
      %convert_element_type3A_242 = arith.extui %ge3A_241 : i1 to i32
      %cond3A_243 = arith.constant 0 : i32
      %cond3A_244 = arith.cmpi ne, %convert_element_type3A_242, %cond3A_243 : i32
      scf.if %cond3A_244 {
        %sub3A_315 = arith.constant 3 : i32
        %sub3A_316 = arith.subi %add3A_230, %sub3A_315 : i32
        %mul3A_317 = arith.constant 48 : i32
        %mul3A_318 = arith.muli %add3A, %mul3A_317 : i32
        %add3A_319 = arith.addi %mul3A_318, %sub3A_316 : i32
        %dma_wait3A_320 = arith.constant 0 : i32
        %dma_wait3A_321 = tpu.memref_slice %arg6[%add3A_319, %dma_wait3A_320] : memref<1536x12544xf32, #tpu.memory_space<hbm>> -> memref<1x12544xf32, #tpu.memory_space<hbm>>
        %dma_wait3A_322 = tpu.memref_squeeze %dma_wait3A_321 : memref<1x12544xf32, #tpu.memory_space<hbm>> -> memref<12544xf32, #tpu.memory_space<hbm>>
        %dma_wait3A_323 = arith.constant 0 : i32
        %dma_wait3A_324 = tpu.memref_slice %arg6[%add3A_319, %dma_wait3A_323] : memref<1536x12544xf32, #tpu.memory_space<hbm>> -> memref<1x12544xf32, #tpu.memory_space<hbm>>
        %dma_wait3A_325 = tpu.memref_squeeze %dma_wait3A_324 : memref<1x12544xf32, #tpu.memory_space<hbm>> -> memref<12544xf32, #tpu.memory_space<hbm>>
        tpu.wait_dma2 semaphore(%arg23 : memref<!tpu.dma_semaphore, #tpu.memory_space<semaphore_mem>>) src(%arg12 : memref<12544xf32, #tpu.memory_space<vmem>>) dst(%dma_wait3A_325 : memref<12544xf32, #tpu.memory_space<hbm>>)
      } else {
      }
      %mul3A_245 = arith.constant 48 : i32
      %mul3A_246 = arith.muli %add3A, %mul3A_245 : i32
      %add3A_247 = arith.addi %mul3A_246, %add3A_230 : i32
      %jit3A_248 = arith.constant 4 : i32
      %div3A_249 = arith.divsi %add3A_247, %jit3A_248 : i32
      %sign3A_250 = arith.constant 0 : i32
      %sign3A_251 = arith.cmpi sgt, %add3A_247, %sign3A_250 : i32
      %sign3A_252 = arith.extui %sign3A_251 : i1 to i32
      %sign3A_253 = arith.constant 0 : i32
      %sign3A_254 = arith.cmpi slt, %add3A_247, %sign3A_253 : i32
      %sign3A_255 = arith.extui %sign3A_254 : i1 to i32
      %sign3A_256 = arith.subi %sign3A_252, %sign3A_255 : i32
      %sign3A_257 = arith.constant 0 : i32
      %sign3A_258 = arith.cmpi sgt, %jit3A_248, %sign3A_257 : i32
      %sign3A_259 = arith.extui %sign3A_258 : i1 to i32
      %sign3A_260 = arith.constant 0 : i32
      %sign3A_261 = arith.cmpi slt, %jit3A_248, %sign3A_260 : i32
      %sign3A_262 = arith.extui %sign3A_261 : i1 to i32
      %sign3A_263 = arith.subi %sign3A_259, %sign3A_262 : i32
      %ne3A_264 = arith.cmpi ne, %sign3A_256, %sign3A_263 : i32
      %rem3A_265 = arith.remsi %add3A_247, %jit3A_248 : i32
      %ne3A_266 = arith.constant 0 : i32
      %ne3A_267 = arith.cmpi ne, %rem3A_265, %ne3A_266 : i32
      %and3A_268 = arith.andi %ne3A_264, %ne3A_267 : i1
      %sub3A_269 = arith.constant 1 : i32
      %sub3A_270 = arith.subi %div3A_249, %sub3A_269 : i32
      %select_n3A_271 = arith.select %and3A_268, %sub3A_270, %div3A_249 : i32
      %jit3A_272 = arith.constant 96 : i32
      %eq3A_273 = arith.constant 0 : i32
      %eq3A_274 = arith.cmpi eq, %jit3A_272, %eq3A_273 : i32
      %jit3A_275 = arith.constant 1 : i32
      %select_n3A_276 = arith.select %eq3A_274, %jit3A_275, %jit3A_272 : i32
      %rem3A_277 = arith.remsi %select_n3A_271, %select_n3A_276 : i32
      %ne3A_278 = arith.constant 0 : i32
      %ne3A_279 = arith.cmpi ne, %rem3A_277, %ne3A_278 : i32
      %lt3A_280 = arith.constant 0 : i32
      %lt3A_281 = arith.cmpi slt, %rem3A_277, %lt3A_280 : i32
      %lt3A_282 = arith.constant 0 : i32
      %lt3A_283 = arith.cmpi slt, %select_n3A_276, %lt3A_282 : i32
      %ne3A_284 = arith.xori %lt3A_281, %lt3A_283 : i1
      %and3A_285 = arith.andi %ne3A_284, %ne3A_279 : i1
      %add3A_286 = arith.addi %rem3A_277, %select_n3A_276 : i32
      %select_n3A_287 = arith.select %and3A_285, %add3A_286, %rem3A_277 : i32
      %broadcast_in_dim3A_288 = vector.broadcast %select_n3A_287 : i32 to vector<16xi32>
      %gather3A_289 = tpu.vector_load_idx %arg14[%broadcast_in_dim3A_288] : memref<128xf32, #tpu.memory_space<vmem>>[vector<16xi32>], vector<16xf32>,
      %mul3A_290 = arith.constant 1.250000e+01 : f32
      %mul3A_291 = vector.broadcast %mul3A_290 : f32 to vector<16xf32>
      %mul3A_292 = arith.mulf %gather3A_289, %mul3A_291 : vector<16xf32>
      %mul3A_293 = arith.constant 128 : i32
      %mul3A_294 = arith.muli %select_n3A_287, %mul3A_293 : i32
      %broadcast_in_dim3A_295 = vector.broadcast %mul3A_294 : i32 to vector<16xi32>
      %parallel_loop3A_296 = arith.constant 0 : i32
      %parallel_loop3A_297 = arith.constant 784 : i32
      %parallel_loop3A_298 = arith.constant 1 : i32
      scf.for %parallel_loop3A_315 = %parallel_loop3A_296 to %parallel_loop3A_297 step %parallel_loop3A_298  : i32 {
        %parallel_loop3A_316 = arith.constant 16 : i32
        %parallel_loop3A_317 = arith.muli %parallel_loop3A_315, %parallel_loop3A_316 : i32
        %parallel_loop3A_318 = arith.index_cast %parallel_loop3A_317 : i32 to index
        %parallel_loop3A_319 = tpu.vector_load %arg9[%parallel_loop3A_318] {strides = array<i32>} : memref<12544xf32, #tpu.memory_space<vmem>>, vector<16xf32>,
        %parallel_loop3A_320 = arith.mulf %parallel_loop3A_319, %mul3A_292 : vector<16xf32>
        %parallel_loop3A_321 = arith.constant 5.000000e+01 : f32
        %parallel_loop3A_322 = vector.broadcast %parallel_loop3A_321 : f32 to vector<16xf32>
        %parallel_loop3A_323 = arith.addf %parallel_loop3A_320, %parallel_loop3A_322 : vector<16xf32>
        %parallel_loop3A_324 = arith.constant 0.000000e+00 : f32
        %parallel_loop3A_325 = arith.constant 9.900000e+01 : f32
        %parallel_loop3A_326 = vector.broadcast %parallel_loop3A_324 : f32 to vector<16xf32>
        %parallel_loop3A_327 = arith.maximumf %parallel_loop3A_326, %parallel_loop3A_323 : vector<16xf32>
        %parallel_loop3A_328 = vector.broadcast %parallel_loop3A_325 : f32 to vector<16xf32>
        %parallel_loop3A_329 = arith.minimumf %parallel_loop3A_328, %parallel_loop3A_327 : vector<16xf32>
        %parallel_loop3A_330 = arith.fptosi %parallel_loop3A_329 : vector<16xf32> to vector<16xi32>
        %parallel_loop3A_331 = arith.sitofp %parallel_loop3A_330 : vector<16xi32> to vector<16xf32>
        %parallel_loop3A_332 = arith.subf %parallel_loop3A_323, %parallel_loop3A_331 : vector<16xf32>
        %parallel_loop3A_333 = arith.addi %broadcast_in_dim3A_295, %parallel_loop3A_330 : vector<16xi32>
        %parallel_loop3A_334 = tpu.vector_load_idx %arg16[%parallel_loop3A_333] : memref<12288xf32, #tpu.memory_space<vmem>>[vector<16xi32>], vector<16xf32>,
        %parallel_loop3A_335 = tpu.vector_load_idx %arg17[%parallel_loop3A_333] : memref<12288xf32, #tpu.memory_space<vmem>>[vector<16xi32>], vector<16xf32>,
        %parallel_loop3A_336 = arith.mulf %parallel_loop3A_332, %parallel_loop3A_335 : vector<16xf32>
        %parallel_loop3A_337 = arith.addf %parallel_loop3A_334, %parallel_loop3A_336 : vector<16xf32>
        %parallel_loop3A_338 = arith.constant 16 : i32
        %parallel_loop3A_339 = arith.muli %parallel_loop3A_315, %parallel_loop3A_338 : i32
        %parallel_loop3A_340 = arith.index_cast %parallel_loop3A_339 : i32 to index
        %parallel_loop3A_341 = tpu.vector_load %arg12[%parallel_loop3A_340] {strides = array<i32>} : memref<12544xf32, #tpu.memory_space<vmem>>, vector<16xf32>,
        tpu.vector_store %arg12[%parallel_loop3A_340], %parallel_loop3A_337 {strides = array<i32>} : memref<12544xf32, #tpu.memory_space<vmem>>, vector<16xf32>,
      } {sc.loop_unroll_factor = 8 : i64, sc.parallel_access}
      %mul3A_299 = arith.constant 48 : i32
      %mul3A_300 = arith.muli %add3A, %mul3A_299 : i32
      %add3A_301 = arith.addi %mul3A_300, %add3A_230 : i32
      %dma_start3A_302 = arith.constant 0 : i32
      %dma_start3A_303 = tpu.memref_slice %arg6[%add3A_301, %dma_start3A_302] : memref<1536x12544xf32, #tpu.memory_space<hbm>> -> memref<1x12544xf32, #tpu.memory_space<hbm>>
      %dma_start3A_304 = tpu.memref_squeeze %dma_start3A_303 : memref<1x12544xf32, #tpu.memory_space<hbm>> -> memref<12544xf32, #tpu.memory_space<hbm>>
      %dma_start3A_305 = arith.constant 0 : i32
      %dma_start3A_306 = tpu.memref_slice %arg6[%add3A_301, %dma_start3A_305] : memref<1536x12544xf32, #tpu.memory_space<hbm>> -> memref<1x12544xf32, #tpu.memory_space<hbm>>
      %dma_start3A_307 = tpu.memref_squeeze %dma_start3A_306 : memref<1x12544xf32, #tpu.memory_space<hbm>> -> memref<12544xf32, #tpu.memory_space<hbm>>
      tpu.enqueue_dma source(%arg12 : memref<12544xf32, #tpu.memory_space<vmem>>) target(%dma_start3A_307 : memref<12544xf32, #tpu.memory_space<hbm>>) target_semaphore(%arg23 : memref<!tpu.dma_semaphore, #tpu.memory_space<semaphore_mem>>)
      %add3A_308 = arith.constant 3 : i32
      %add3A_309 = arith.addi %add3A_230, %add3A_308 : i32
      %lt3A_310 = arith.constant 48 : i32
      %lt3A_311 = arith.cmpi slt, %add3A_309, %lt3A_310 : i32
      %convert_element_type3A_312 = arith.extui %lt3A_311 : i1 to i32
      %cond3A_313 = arith.constant 0 : i32
      %cond3A_314 = arith.cmpi ne, %convert_element_type3A_312, %cond3A_313 : i32
      scf.if %cond3A_314 {
        %add3A_315 = arith.constant 3 : i32
        %add3A_316 = arith.addi %add3A_230, %add3A_315 : i32
        %mul3A_317 = arith.constant 48 : i32
        %mul3A_318 = arith.muli %add3A, %mul3A_317 : i32
        %add3A_319 = arith.addi %mul3A_318, %add3A_316 : i32
        %dma_start3A_320 = arith.constant 0 : i32
        %dma_start3A_321 = tpu.memref_slice %arg2[%add3A_319, %dma_start3A_320] : memref<1536x12544xf32, #tpu.memory_space<hbm>> -> memref<1x12544xf32, #tpu.memory_space<hbm>>
        %dma_start3A_322 = tpu.memref_squeeze %dma_start3A_321 : memref<1x12544xf32, #tpu.memory_space<hbm>> -> memref<12544xf32, #tpu.memory_space<hbm>>
        %dma_start3A_323 = arith.constant 0 : i32
        %dma_start3A_324 = tpu.memref_slice %arg2[%add3A_319, %dma_start3A_323] : memref<1536x12544xf32, #tpu.memory_space<hbm>> -> memref<1x12544xf32, #tpu.memory_space<hbm>>
        %dma_start3A_325 = tpu.memref_squeeze %dma_start3A_324 : memref<1x12544xf32, #tpu.memory_space<hbm>> -> memref<12544xf32, #tpu.memory_space<hbm>>
        tpu.enqueue_dma source(%dma_start3A_325 : memref<12544xf32, #tpu.memory_space<hbm>>) target(%arg9 : memref<12544xf32, #tpu.memory_space<vmem>>) target_semaphore(%arg20 : memref<!tpu.dma_semaphore, #tpu.memory_space<semaphore_mem>>)
      } else {
      }
    }
    %scan3A_40 = arith.constant 16 : i32
    %mul3A_41 = arith.constant 48 : i32
    %mul3A_42 = arith.muli %add3A, %mul3A_41 : i32
    %add3A_43 = arith.constant 45 : i32
    %add3A_44 = arith.addi %mul3A_42, %add3A_43 : i32
    %dma_wait3A = arith.constant 0 : i32
    %dma_wait3A_45 = tpu.memref_slice %arg6[%add3A_44, %dma_wait3A] : memref<1536x12544xf32, #tpu.memory_space<hbm>> -> memref<1x12544xf32, #tpu.memory_space<hbm>>
    %dma_wait3A_46 = tpu.memref_squeeze %dma_wait3A_45 : memref<1x12544xf32, #tpu.memory_space<hbm>> -> memref<12544xf32, #tpu.memory_space<hbm>>
    %dma_wait3A_47 = arith.constant 0 : i32
    %dma_wait3A_48 = tpu.memref_slice %arg6[%add3A_44, %dma_wait3A_47] : memref<1536x12544xf32, #tpu.memory_space<hbm>> -> memref<1x12544xf32, #tpu.memory_space<hbm>>
    %dma_wait3A_49 = tpu.memref_squeeze %dma_wait3A_48 : memref<1x12544xf32, #tpu.memory_space<hbm>> -> memref<12544xf32, #tpu.memory_space<hbm>>
    tpu.wait_dma2 semaphore(%arg21 : memref<!tpu.dma_semaphore, #tpu.memory_space<semaphore_mem>>) src(%arg10 : memref<12544xf32, #tpu.memory_space<vmem>>) dst(%dma_wait3A_49 : memref<12544xf32, #tpu.memory_space<hbm>>)
    %mul3A_50 = arith.constant 48 : i32
    %mul3A_51 = arith.muli %add3A, %mul3A_50 : i32
    %add3A_52 = arith.constant 46 : i32
    %add3A_53 = arith.addi %mul3A_51, %add3A_52 : i32
    %dma_wait3A_54 = arith.constant 0 : i32
    %dma_wait3A_55 = tpu.memref_slice %arg6[%add3A_53, %dma_wait3A_54] : memref<1536x12544xf32, #tpu.memory_space<hbm>> -> memref<1x12544xf32, #tpu.memory_space<hbm>>
    %dma_wait3A_56 = tpu.memref_squeeze %dma_wait3A_55 : memref<1x12544xf32, #tpu.memory_space<hbm>> -> memref<12544xf32, #tpu.memory_space<hbm>>
    %dma_wait3A_57 = arith.constant 0 : i32
    %dma_wait3A_58 = tpu.memref_slice %arg6[%add3A_53, %dma_wait3A_57] : memref<1536x12544xf32, #tpu.memory_space<hbm>> -> memref<1x12544xf32, #tpu.memory_space<hbm>>
    %dma_wait3A_59 = tpu.memref_squeeze %dma_wait3A_58 : memref<1x12544xf32, #tpu.memory_space<hbm>> -> memref<12544xf32, #tpu.memory_space<hbm>>
    tpu.wait_dma2 semaphore(%arg22 : memref<!tpu.dma_semaphore, #tpu.memory_space<semaphore_mem>>) src(%arg11 : memref<12544xf32, #tpu.memory_space<vmem>>) dst(%dma_wait3A_59 : memref<12544xf32, #tpu.memory_space<hbm>>)
    %mul3A_60 = arith.constant 48 : i32
    %mul3A_61 = arith.muli %add3A, %mul3A_60 : i32
    %add3A_62 = arith.constant 47 : i32
    %add3A_63 = arith.addi %mul3A_61, %add3A_62 : i32
    %dma_wait3A_64 = arith.constant 0 : i32
    %dma_wait3A_65 = tpu.memref_slice %arg6[%add3A_63, %dma_wait3A_64] : memref<1536x12544xf32, #tpu.memory_space<hbm>> -> memref<1x12544xf32, #tpu.memory_space<hbm>>
    %dma_wait3A_66 = tpu.memref_squeeze %dma_wait3A_65 : memref<1x12544xf32, #tpu.memory_space<hbm>> -> memref<12544xf32, #tpu.memory_space<hbm>>
    %dma_wait3A_67 = arith.constant 0 : i32
    %dma_wait3A_68 = tpu.memref_slice %arg6[%add3A_63, %dma_wait3A_67] : memref<1536x12544xf32, #tpu.memory_space<hbm>> -> memref<1x12544xf32, #tpu.memory_space<hbm>>
    %dma_wait3A_69 = tpu.memref_squeeze %dma_wait3A_68 : memref<1x12544xf32, #tpu.memory_space<hbm>> -> memref<12544xf32, #tpu.memory_space<hbm>>
    tpu.wait_dma2 semaphore(%arg23 : memref<!tpu.dma_semaphore, #tpu.memory_space<semaphore_mem>>) src(%arg12 : memref<12544xf32, #tpu.memory_space<vmem>>) dst(%dma_wait3A_69 : memref<12544xf32, #tpu.memory_space<hbm>>)
    return
  }
}

</mosaic_0001>

<sc_bundles>
// kernel: _spline_sc.3.cloned.1.call-start
scs
__scs_entry_jumppad:
0x0: {  	(pc) =	sbr.rel $0x88, $3  }
0x1: {  	(tag) =	ssettag $0x0;
	lr =	simm.s32 $0x1  }
0x2: {  	[smem:$0x3F9D] =	sst lr;
	_ =	strace $0xD0000000  }
0x3: {  	_ = 	snop  }
0x4: {  	_ = 	snop  }
0x5: {  	_ = 	snop  }
0x6: {  	_ = 	snop  }
0x7: {  	_ = 	snop  }
__scs_overlays_trampoline_lowered:
0x8: {  	[smem:$0x3FAC] =	sst s0  }
0x9: {  	[smem:$0x3FAD] =	sst s1  }
0xa: {  	[smem:$0x3FAE] =	sst s2  }
0xb: {  	[smem:$0x3FAF] =	sst s3  }
0xc: {  	[smem:$0x3FB0] =	sst s4  }
0xd: {  	[smem:$0x3FB1] =	sst s5  }
0xe: {  	[smem:$0x3FB2] =	sst s6  }
0xf: {  	[smem:$0x3FB3] =	sst s7  }
0x10: {  	[smem:$0x3FB4] =	sst s8  }
0x11: {  	[smem:$0x3FB5] =	sst s9;
	s0 =	simm.s32 @!p0 $0x0  }
0x12: {  	s1 =	sld [smem:$0x3F9B];
	s0 =	simm.s32 @p0 $0x1  }
0x13: {  	[smem:$0x3FB6] =	sst s0;
	s0 =	simm.s32 @!p1 $0x0  }
0x14: {  	s2 =	sld [smem:$0x3F9A];
	s0 =	simm.s32 @p1 $0x1  }
0x15: {  	[smem:$0x3FB7] =	sst s0;
	s0 =	simm.s32 @!p2 $0x0  }
0x16: {  	s3 =	sld [smem:$0x3FDB];
	s0 =	simm.s32 @p2 $0x1  }
0x17: {  	s4 =	simm.s32 $0x1BF5;
	[smem:$0x3FB9] =	sst s0  }
0x18: {  	s0 =	sld [smem:$0x3F9C];
	_ =	swait.ge [sflag:s4], $0x0  }
0x19: {  	s7 =	sld [smem:$0x3F9D]  }
0x1a: {  	s8 =	sadd.s32 $0xFFFFE003, lr  }
0x1b: {  	s9 =	sadd.s32 $0xFFFFFEF7, lr;
	s5 =	simm.s32 $0xFFFFFFFF;
	p2 =	slt.u32 s8, $0xFFFFF086  }
0x1c: {  	p1 =	slt.u32 s9, $0xF7A;
	s5 =	simm.s32 @!p2 $0x0  }
0x1d: {  	s5 =	simm.s32 @p1 $0x1;
	p0 =	seq.s32 s7, s2  }
0x1e: {  	s7 =	smul.u32 @!p0 $0xF7A, s2;
	p2 =	seq.s32 @!p0 s5, $0x0  }
0x1f: {  	s9 =	smul.u32 $0xF7A, s1;
	s8 =	simm.s32 @!p0 $0x1BF5;
	p2 =	por !p2, p0  }
0x20: {  	[sflag:s8] =	ssyncset.s32 @!p0 $0xFFFFF086;
	s6 =	sadd.s32 @!p0 s3, s7;
	s7 =	simm.s32 @!p0 $0x108  }
0x21: {  	s3 =	sadd.s32 s3, s9;
	s6 =	sadd.s32 @!p0 $0x88, s6;
	s7 =	simm.s32 @p2 $0x1082  }
0x22: {  	[simem:s7], [sflag:s8] =	dma.local @!p0 [hbm:s6], $0xF7A  }
0x23: {  	s9 =	sor.u32 $0xD0000000, s2;
	s6 =	simm.s32 $0x108;
	_ =	swait.ge @!p0 [sflag:s8], $0x0  }
0x24: {  	s3 =	sadd.s32 $0x88, s3;
	s6 =	simm.s32 @!p1 $0x1082;
	[sflag:s4] =	ssyncset.s32 $0xFFFFF086  }
0x25: {  	[simem:s6], [sflag:s4] =	dma.local [hbm:s3], $0xF7A  }
0x26: {  	[smem:$0x3F9D] =	sst s1;
	(tag) =	ssettag s2;
	_ =	strace s9  }
0x27: {  	s1 =	sld [smem:$0x3FAD]  }
0x28: {  	s2 =	sld [smem:$0x3FAE]  }
0x29: {  	s4 =	sld [smem:$0x3FB0]  }
0x2a: {  	p0 =	seq.s32 s5, $0x0;
	s5 =	sld [smem:$0x3FB1]  }
0x2b: {  	s6 =	sld [smem:$0x3FB2]  }
0x2c: {  	s7 =	sld [smem:$0x3FB3]  }
0x2d: {  	s3 =	simm.s32 $0x108;
	s8 =	sld [smem:$0x3FB4]  }
0x2e: {  	s3 =	simm.s32 @!p0 $0x1082;
	s9 =	sld [smem:$0x3FB5]  }
0x2f: {  	lr =	sadd.s32 s0, s3;
	s0 =	sld [smem:$0x3FAC]  }
0x30: {  	s3 =	sld [smem:$0x3FAF]  }
0x31: {  	[smem:$0x3FB8] =	sst s10  }
0x32: {  	s10 =	sld [smem:$0x3FB6];
	_ =	sdelay $0x3  }
0x33: {  	p0 =	seq.s32 s10, $0x1;
	s10 =	sld [smem:$0x3FB8];
	_ =	sdelay $0x3  }
0x34: {  	[smem:$0x3FB8] =	sst s10  }
0x35: {  	s10 =	sld [smem:$0x3FB7];
	_ =	sdelay $0x3  }
0x36: {  	p1 =	seq.s32 s10, $0x1;
	s10 =	sld [smem:$0x3FB8];
	_ =	sdelay $0x3  }
0x37: {  	[smem:$0x3FB8] =	sst s10  }
0x38: {  	s10 =	sld [smem:$0x3FB9]  }
0x39: {  	_ = 	snop;
	(pc) =	sbr.ind lr, $3  }
0x3a: {  	_ = 	snop  }
0x3b: {  	_ = 	snop  }
0x3c: {  	p2 =	seq.s32 s10, $0x1;
	s10 =	sld [smem:$0x3FB8]  }
0x3d: {  	_ =	shalt  }
0x3e: {  	_ =	shalt  }
0x3f: {  	_ =	shalt  }
0x40: {  	_ =	shalt  }
0x41: {  	_ =	shalt  }
0x42: {  	_ =	shalt  }
0x43: {  	_ =	shalt  }
0x44: {  	_ =	shalt  }
0x45: {  	_ =	shalt  }
0x46: {  	_ =	shalt  }
0x47: {  	_ =	shalt  }
0x48: {  	_ =	shalt  }
0x49: {  	_ =	shalt  }
0x4a: {  	_ =	shalt  }
0x4b: {  	_ =	shalt  }
0x4c: {  	_ =	shalt  }
0x4d: {  	_ =	shalt  }
0x4e: {  	_ =	shalt  }
0x4f: {  	_ =	shalt  }
0x50: {  	_ =	shalt  }
0x51: {  	_ =	shalt  }
0x52: {  	_ =	shalt  }
0x53: {  	_ =	shalt  }
0x54: {  	_ =	shalt  }
0x55: {  	_ =	shalt  }
0x56: {  	_ =	shalt  }
0x57: {  	_ =	shalt  }
0x58: {  	_ =	shalt  }
0x59: {  	_ =	shalt  }
0x5a: {  	_ =	shalt  }
0x5b: {  	_ =	shalt  }
0x5c: {  	_ =	shalt  }
0x5d: {  	_ =	shalt  }
0x5e: {  	_ =	shalt  }
0x5f: {  	_ =	shalt  }
0x60: {  	_ =	shalt  }
0x61: {  	_ =	shalt  }
0x62: {  	_ =	shalt  }
0x63: {  	_ =	shalt  }
0x64: {  	_ =	shalt  }
0x65: {  	_ =	shalt  }
0x66: {  	_ =	shalt  }
0x67: {  	_ =	shalt  }
0x68: {  	_ =	shalt  }
0x69: {  	_ =	shalt  }
0x6a: {  	_ =	shalt  }
0x6b: {  	_ =	shalt  }
0x6c: {  	_ =	shalt  }
0x6d: {  	_ =	shalt  }
0x6e: {  	_ =	shalt  }
0x6f: {  	_ =	shalt  }
0x70: {  	_ =	shalt  }
0x71: {  	_ =	shalt  }
0x72: {  	_ =	shalt  }
0x73: {  	_ =	shalt  }
0x74: {  	_ =	shalt  }
0x75: {  	_ =	shalt  }
0x76: {  	_ =	shalt  }
0x77: {  	_ =	shalt  }
0x78: {  	_ =	shalt  }
0x79: {  	_ =	shalt  }
0x7a: {  	_ =	shalt  }
0x7b: {  	_ =	shalt  }
0x7c: {  	_ =	shalt  }
0x7d: {  	_ =	shalt  }
0x7e: {  	_ =	shalt  }
0x7f: {  	_ =	shalt  }
0x80: {  	_ =	shalt  }
0x81: {  	_ =	shalt  }
0x82: {  	_ =	shalt  }
0x83: {  	_ =	shalt  }
0x84: {  	_ =	shalt  }
0x85: {  	_ =	shalt  }
0x86: {  	_ =	shalt  }
0x87: {  	_ =	shalt  }
.Lfunc_end0:
.L_simem_size_0:
called_computation_lowered:
.L_overlay_start_0:
0x88: {  	s2 =	sld [smem:$0x3FD9]  }
0x89: {  	s3 =	sld [smem:$0x3FFE];
	_ =	sdelay $0x1  }
0x8a: {  	s1 =	srdreg.scid  }
0x8b: {  	s0 =	sand.u32 $0x1, s1  }
0x8c: {  	s18 =	sshll.u32 s0, $0xA;
	s2 =	sadd.s32 s3, s2  }
0x8d: {  	s2 =	sadd.s32 s2, s18  }
0x8e: {  	[smem:$0x3FC4] =	sst s2  }
0x8f: {  	_ = 	snop  }
0x90: {  	s2 =	sld [smem:$0x3FC9]  }
0x91: {  	s19 =	sld [smem:$0x3FC8]  }
0x92: {  	s4 =	sld [smem:$0x3FC7]  }
0x93: {  	s5 =	sld [smem:$0x3FC6]  }
0x94: {  	s6 =	sld [smem:$0x3FD0];
	(tm) =	ssettm $0x1  }
0x95: {  	s7 =	sld [smem:$0x3FFB];
	_ =	sdelay $0x3  }
0x96: {  	_ =	strace s7  }
0x97: {  	s7 =	sld [smem:$0x3FFC];
	_ =	sdelay $0x3  }
0x98: {  	_ =	strace s7  }
0x99: {  	s7 =	sld [smem:$0x3FFD];
	_ =	sdelay $0x3  }
0x9a: {  	_ =	strace s7  }
0x9b: {  	_ =	strace $0x8FFFFFFF  }
0x9c: {  	s20 =	sld [smem:$0x3FDB];
	_ =	sdelay $0x1  }
0x9d: {  	s8 =	simm.s32 $_scs_section_size  }
0x9e: {  	s9 =	simm.s32 $_size__tile_overlayer_lowered;
	s10 =	simm.s32 $_tile_overlayer_lowered  }
0x9f: {  	s23 =	simm.s32 $0x1BFF;
	s22 =	sshll.u32 s10, $0x1;
	s7 =	sadd.s32 s8, s20  }
0xa0: {  	s11 =	simm.s32 $0x0;
	s21 =	sshll.u32 s9, $0x1;
	s9 =	sadd.s32 s22, s7  }
0xa1: {  	[timem:s11], [sflag:s23] =	dma.local [hbm:s9], s21  }
0xa2: {  	_ =	swait.ge [sflag:s23], s21  }
0xa3: {  	s8 =	ssub.s32 $0x0, s21;
	[sflag:s23] =	ssyncset.done $0x0  }
0xa4: {  	[sflag:s23] =	ssyncadd.s32 s8;
	_ =	sdelay $0x1  }
0xa5: {  	s24 =	simm.s32 $0x1B8B  }
0xa6: {  	_ =	swait.ge [sflag:s24], $0x1  }
0xa7: {  	[sflag:s24] =	ssyncset.done $0x0  }
0xa8: {  	s25 =	simm.s32 $0x1B8E;
	[sflag:s24] =	ssyncadd.s32 $0xFFFFFFFF  }
0xa9: {  	s26 =	simm.s32 $execute0_lowered;
	[smem:$0x3FD2] =	sst s25  }
0xaa: {  	s8 =	sshll.u32 s26, $0x1;
	_ =	strace $0x80000046;
	[dreg:$0x1] =	wrdreg $0xFFFFFFFF  }
0xab: {  	s28 =	simm.s32 $_size_execute0_lowered;
	s7 =	sadd.s32 s7, s8;
	[dreg:$0x0] =	wrdreg $0x0  }
0xac: {  	s8 =	sshll.u32 s28, $0x1;
	[dreg:$0x2] =	wrdreg s7  }
0xad: {  	[dreg:$0x3] =	wrdreg s8  }
0xae: {  	[dreg:$0x4] =	wrdreg $0xC0  }
0xaf: {  	_ =	task [dreg:s11], $0x5FFFF  }
0xb0: {  	[dreg:$0x1] =	wrdreg $0xFFFFFFFF  }
0xb1: {  	[dreg:$0x0] =	wrdreg $0x60  }
0xb2: {  	[dreg:$0x2] =	wrdreg s2  }
0xb3: {  	[dreg:$0x3] =	wrdreg s19  }
0xb4: {  	[dreg:$0x4] =	wrdreg s4  }
0xb5: {  	[dreg:$0x5] =	wrdreg s5  }
0xb6: {  	[dreg:$0x6] =	wrdreg s6  }
0xb7: {  	[dreg:$0x7] =	wrdreg $0x9  }
0xb8: {  	_ =	task.clear_ibuf [dreg:s11], $0x8FFFF;
	_ =	strace $0x90000046  }
0xb9: {  	s29 =	simm.s32 $0x9;
	_ =	strace $0x80000048  }
0xba: {  	_ =	swait.ge [sflag:s29], $0x1  }
0xbb: {  	[sflag:s29] =	ssyncadd.s32 $0xFFFFFFFF  }
0xbc: {  	_ =	strace $0x90000048  }
0xbd: {  	_ =	sfence  }
0xbe: {  	s30 =	sld [smem:$0x0];
	_ =	sdelay $0x2  }
0xbf: {  	s31 =	sshll.u32 s1, $0xD;
	s1 =	sshrl.u32 s1, $0x2  }
0xc0: {  	s3 =	sand.u32 $0x4000, s31;
	s1 =	sadd.s32 s1, s30  }
0xc1: {  	s0 =	sor.u32 s3, s0;
	s1 =	sshll.u32 s1, $0x11  }
0xc2: {  	s0 =	sor.u32 s1, s0  }
0xc3: {  	s0 =	sadd.s32 $0x8F2B, s0  }
0xc4: {  	[sflag:s0] =	ssyncadd.remote.s32 $0x1  }
0xc5: {  	_ =	sfence.sel $0xFFFF  }
0xc6: {  	[dreg:$0x0] =	wrdreg $0xFFFFFFFF;
	(pc) =	sbr.abs _section_cstart, $3  }
0xc7: {  	[dreg:$0x1] =	wrdreg $0xFFFFFFFF  }
0xc8: {  	_ =	task.clear_ibuf [dreg:s11], $0x2FFFF;
	_ =	strace $0x9FFFFFFF  }
0xc9: {  	(tm) =	ssettm $0x7FFFFFFF  }
tec
execute0_lowered:
.L_overlay_start_1:
0x0: {  	(tag) =	ssettag $0x1  }
0x1: {  	s0 =	srdreg.scid  }
0x2: {  	s2 =	stileid.u32;
	s1 =	rddreg [dreg:$0x0]  }
0x3: {  	s7 =	rddreg [dreg:$0x4];
	s8 =	simm.s32 $0x0;
	s13 =	simm.s32 $0x80  }
0x4: {  	s14 =	simm.s32 $0x400;
	s16 =	simm.s32 $0x6200;
	s17 =	simm.s32 $0x12600  }
0x5: {  	s18 =	simm.s32 $0x7;
	s0 =	sand.u32 $0x1, s0;
	s2 =	sshll.u32 s2, $0x1  }
0x6: {  	s19 =	simm.s32 $0x14C00;
	s20 =	simm.s32 $0x14C80;
	s2 =	sor.u32 s0, s2  }
0x7: {  	s21 =	simm.s32 $0x1;
	s22 =	simm.s32 $0x14D00;
	s5 =	smul.u32 $0x30, s2  }
0x8: {  	s23 =	simm.s32 $0x17D00;
	s24 =	simm.s32 $0x9300;
	s0 =	ssub.s32 $0x2, s0  }
0x9: {  	v15 =	vlaneseq.u32;
	s25 =	simm.s32 $0x2;
	s3 =	sshrl.u32 s0, $0x1;
	s2 =	sshrl.u32 s5, $0x3  }
0xa: {  	s26 =	simm.s32 $0xC400;
	v0 =	vadd.s32 $0xFFFFFFCE, v15;
	s0 =	ssub.s32 s0, s3;
	s2 =	smul.u32 $0x3100, s2  }
.Ltmp0:
0xb: {  	[smem:$0x7FF] =	sst s8;
	v1 =	vadd.s32 $0xFFFFFFCF, v15;
	v2 =	vadd.s32 $0xFFFFFFDE, v15;
	v3 =	vadd.s32 $0xFFFFFFDF, v15;
	s0 =	smax.u32 s0, $0x1;
	(pc) =	sbr.rel .LBB2_1-.Ltmp0, $4  }
0xc: {  	v4 =	vadd.s32 $0xFFFFFFEE, v15;
	v5 =	vadd.s32 $0xFFFFFFEF, v15;
	v6 =	vadd.s32 $0xFFFFFFFE, v15;
	_ =	strace $0x80000047;
	[dreg:$0x9] =	wrdreg s0;
	s2 =	sadd.s32 s1, s2  }
0xd: {  	s28 =	simm.s32 $0x3;
	v7 =	vadd.s32 $0xFFFFFFFF, v15;
	v8 =	vadd.s32 $0xE, v15;
	v9 =	vadd.s32 $0xF, v15;
	s31 =	sadd.s32 $0x10, s2;
	[dreg:$0x6] =	wrdreg s2  }
0xe: {  	s29 =	simm.s32 $0xF500;
	v10 =	vadd.s32 $0x1E, v15;
	v11 =	vadd.s32 $0x1F, v15;
	v12 =	vadd.s32 $0x2E, v15;
	s2 =	sadd.s32 $0x20, s2;
	[dreg:$0x7] =	wrdreg s31  }
0xf: {  	v13 =	vadd.s32 $0x2F, v15;
	v14 =	vadd.s32 $0x3E, v15;
	v15 =	vadd.s32 $0x3F, v15;
	s3 =	simm.s32 $0x6;
	s0 =	simm.s32 $0x0;
	[dreg:$0x8] =	wrdreg s2  }
.LBB2_12:
0x10: {  	s2 =	simm.s32 $0x4  }
0x11: {  	_ =	swait.ge [sflag:s2], $0x3100  }
0x12: {  	[sflag:s2] =	ssyncset.done $0x0  }
0x13: {  	s30 =	simm.s32 $0x5;
	[sflag:s2] =	ssyncadd.s32 $0xFFFFCF00  }
0x14: {  	_ =	swait.ge [sflag:s30], $0x3100  }
0x15: {  	[sflag:s30] =	ssyncset.done $0x0  }
0x16: {  	[sflag:s30] =	ssyncadd.s32 $0xFFFFCF00  }
0x17: {  	_ =	swait.ge [sflag:s3], $0x3100  }
0x18: {  	s0 =	sadd.s32 $0x1, s0;
	s31 =	rddreg [dreg:$0x9]  }
0x19: {  	p0 =	sne.s32 s0, s31  }
.Ltmp1:
0x1a: {  	_ = 	snop;
	(pc) =	sbr.rel @!p0 .LBB2_13-.Ltmp1, $3  }
0x1b: {  	_ =	sdelay $0x1  }
0x1c: {  	[sflag:s3] =	ssyncset.done $0x0  }
0x1d: {  	[sflag:s3] =	ssyncadd.s32 $0xFFFFCF00  }
.LBB2_1:
0x1e: {  	s2 =	rddreg [dreg:$0x6]  }
0x1f: {  	[tilespmem:s8], [sflag:$0x1] =	stream.strided.gather [hbm4b:s2+s13], $0x3100, s14, s13, $0x38;
	[tilespmem:$0x1AD00] =	vst v63  }
0x20: {  	s11 =	rddreg [dreg:$0x7];
	s4 =	simm.s32 $0x3100  }
0x21: {  	[tilespmem:s4], [sflag:$0x2] =	stream.strided.gather [hbm4b:s11+s13], $0x3100, s14, s13, $0x38;
	[tilespmem:$0x1AD00] =	vst v63  }
0x22: {  	s12 =	rddreg [dreg:$0x8]  }
0x23: {  	[tilespmem:s16], [sflag:$0x3] =	stream.strided.gather [hbm4b:s12+s13], $0x3100, s14, s13, $0x38;
	[tilespmem:$0x1AD00] =	vst v63  }
0x24: {  	s15 =	rddreg [dreg:$0x1]  }
0x25: {  	[tilespmem:s17], [sflag:$0x7] =	stream.linear.gather [hbm4b:s15+s8], $0x25E0, $0x38;
	[tilespmem:$0x1AD00] =	vst v63  }
0x26: {  	_ =	swait.ge [sflag:s18], $0x25E0  }
0x27: {  	[sflag:s18] =	ssyncset.done $0x0  }
0x28: {  	[sflag:s18] =	ssyncadd.s32 $0xFFFFDA20  }
0x29: {  	s30 =	rddreg [dreg:$0x2]  }
0x2a: {  	[tilespmem:s19], [sflag:$0x7] =	stream.linear.gather [hbm4b:s30+s8], $0x60, $0x38;
	[tilespmem:$0x1AD00] =	vst v63  }
0x2b: {  	_ =	swait.ge [sflag:s18], $0x60  }
0x2c: {  	[sflag:s18] =	ssyncset.done $0x0  }
0x2d: {  	[sflag:s18] =	ssyncadd.s32 $0xFFFFFFA0  }
0x2e: {  	s31 =	rddreg [dreg:$0x3]  }
0x2f: {  	[tilespmem:s20], [sflag:$0x7] =	stream.linear.gather [hbm4b:s31+s8], $0x60, $0x38;
	[tilespmem:$0x1AD00] =	vst v63  }
0x30: {  	_ =	swait.ge [sflag:s18], $0x60  }
0x31: {  	s6 =	simm.s32 $0x0;
	[sflag:s18] =	ssyncset.done $0x0  }
0x32: {  	s2 =	simm.s32 $0x17D40;
	s4 =	simm.s32 $0x14D40;
	[sflag:s18] =	ssyncadd.s32 $0xFFFFFFA0  }
.LBB2_2:
0x33: {  	v16 =	vmov s6;
	_ =	sdelay $0x4  }
0x34: {  	v17 =	vld.idx.msk [tilespmem:v16+s20+$0x0], $0xffff;
	_ =	sdelay $0x1  }
0x35: {  	v16 =	vld.idx.msk [tilespmem:v16+s19+$0x0], $0xffff;
	_ =	sdelay $0x2  }
0x36: {  	v18 =	vadd.s32 v0, v17  }
0x37: {  	v19 =	vadd.s32 v1, v17  }
0x38: {  	(erf) = vrcp.f32 v16;
	_ =	sdelay $0x2  }
0x39: {  	v16 =	vld.idx.msk [tilespmem:v18+s17+$0x0], $0xffff  }
0x3a: {  	v51 =	vld.idx.msk [tilespmem:v19+s17+$0x0], $0xffff;
	_ =	sdelay $0x4  }
0x3b: {  	v20 =	vadd.s32 v2, v17;
	v52 =	vpop (erf);
	v18 =	vsub.f32 v51, v16  }
0x3c: {  	v21 =	vadd.s32 v3, v17;
	v16 =	vmul.f32 v52, v16  }
0x3d: {  	v18 =	vmul.f32 v18, v52  }
0x3e: {  	[tilespmem:s4+$0xFFFFFFC0] =	vst v16  }
0x3f: {  	[tilespmem:s2+$0xFFFFFFC0] =	vst v18  }
0x40: {  	v16 =	vld.idx.msk [tilespmem:v20+s17+$0x0], $0xffff  }
0x41: {  	v18 =	vld.idx.msk [tilespmem:v21+s17+$0x0], $0xffff;
	_ =	sdelay $0x4  }
0x42: {  	v53 =	vadd.s32 v4, v17;
	v18 =	vsub.f32 v18, v16  }
0x43: {  	v54 =	vadd.s32 v5, v17;
	v16 =	vmul.f32 v16, v52  }
0x44: {  	v18 =	vmul.f32 v18, v52  }
0x45: {  	[tilespmem:s4+$0xFFFFFFD0] =	vst v16  }
0x46: {  	[tilespmem:s2+$0xFFFFFFD0] =	vst v18  }
0x47: {  	v16 =	vld.idx.msk [tilespmem:v53+s17+$0x0], $0xffff  }
0x48: {  	v18 =	vld.idx.msk [tilespmem:v54+s17+$0x0], $0xffff;
	_ =	sdelay $0x4  }
0x49: {  	v55 =	vadd.s32 v6, v17;
	v18 =	vsub.f32 v18, v16  }
0x4a: {  	v56 =	vadd.s32 v7, v17;
	v16 =	vmul.f32 v16, v52  }
0x4b: {  	v18 =	vmul.f32 v18, v52  }
0x4c: {  	[tilespmem:s4+$0xFFFFFFE0] =	vst v16  }
0x4d: {  	[tilespmem:s2+$0xFFFFFFE0] =	vst v18  }
0x4e: {  	v16 =	vld.idx.msk [tilespmem:v55+s17+$0x0], $0xffff  }
0x4f: {  	v18 =	vld.idx.msk [tilespmem:v56+s17+$0x0], $0xffff;
	_ =	sdelay $0x4  }
0x50: {  	v57 =	vadd.s32 v8, v17;
	v18 =	vsub.f32 v18, v16  }
0x51: {  	v58 =	vadd.s32 v9, v17;
	v16 =	vmul.f32 v16, v52  }
0x52: {  	v18 =	vmul.f32 v18, v52  }
0x53: {  	[tilespmem:s4+$0xFFFFFFF0] =	vst v16  }
0x54: {  	[tilespmem:s2+$0xFFFFFFF0] =	vst v18  }
0x55: {  	v16 =	vld.idx.msk [tilespmem:v57+s17+$0x0], $0xffff  }
0x56: {  	v18 =	vld.idx.msk [tilespmem:v58+s17+$0x0], $0xffff;
	_ =	sdelay $0x4  }
0x57: {  	v59 =	vadd.s32 v10, v17;
	v18 =	vsub.f32 v18, v16  }
0x58: {  	v60 =	vadd.s32 v11, v17;
	v16 =	vmul.f32 v16, v52  }
0x59: {  	v18 =	vmul.f32 v18, v52  }
0x5a: {  	[tilespmem:s4+$0x0] =	vst v16  }
0x5b: {  	[tilespmem:s2+$0x0] =	vst v18  }
0x5c: {  	v16 =	vld.idx.msk [tilespmem:v59+s17+$0x0], $0xffff  }
0x5d: {  	v18 =	vld.idx.msk [tilespmem:v60+s17+$0x0], $0xffff;
	_ =	sdelay $0x4  }
0x5e: {  	v61 =	vadd.s32 v12, v17;
	v18 =	vsub.f32 v18, v16  }
0x5f: {  	v62 =	vadd.s32 v13, v17;
	v16 =	vmul.f32 v16, v52  }
0x60: {  	v18 =	vmul.f32 v18, v52  }
0x61: {  	[tilespmem:s4+$0x10] =	vst v16  }
0x62: {  	[tilespmem:s2+$0x10] =	vst v18  }
0x63: {  	v16 =	vld.idx.msk [tilespmem:v61+s17+$0x0], $0xffff  }
0x64: {  	v18 =	vld.idx.msk [tilespmem:v62+s17+$0x0], $0xffff;
	_ =	sdelay $0x4  }
0x65: {  	v63 =	vadd.s32 v14, v17;
	v18 =	vsub.f32 v18, v16  }
0x66: {  	v17 =	vadd.s32 v15, v17;
	v16 =	vmul.f32 v16, v52  }
0x67: {  	v18 =	vmul.f32 v18, v52  }
0x68: {  	[tilespmem:s4+$0x20] =	vst v16  }
0x69: {  	[tilespmem:s2+$0x20] =	vst v18  }
0x6a: {  	v16 =	vld.idx.msk [tilespmem:v63+s17+$0x0], $0xffff  }
0x6b: {  	v17 =	vld.idx.msk [tilespmem:v17+s17+$0x0], $0xffff;
	_ =	sdelay $0x3  }
0x6c: {  	p0 =	sne.s32 s6, $0x5F  }
.Ltmp2:
0x6d: {  	v17 =	vsub.f32 v17, v16;
	(pc) =	sbr.rel @p0 .LBB2_2-.Ltmp2, $4  }
0x6e: {  	v16 =	vmul.f32 v16, v52  }
0x6f: {  	v17 =	vmul.f32 v17, v52  }
0x70: {  	[tilespmem:s4+$0x30] =	vst v16  }
0x71: {  	s6 =	sadd.s32 $0x1, s6;
	s4 =	sadd.s32 $0x80, s4;
	[tilespmem:s2+$0x30] =	vst v17;
	s2 =	sadd.s32 $0x80, s2  }
0x72: {  	s2 =	simm.s32 $0x0  }
.LBB2_4:
0x73: {  	s4 =	smul.u32 $0x3, s2;
	_ =	sdelay $0x1  }
0x74: {  	s6 =	sadd.s32 s5, s4;
	s10 =	sand.u32 $0x3, s4  }
0x75: {  	p0 =	seq.s32 s6, $0x0;
	p1 =	sne.s32 s10, $0x0  }
0x76: {  	p0 =	por !p0, !p1  }
0x77: {  	s10 =	simm.s32 $0x1;
	p0 =	por !p0, !p0  }
0x78: {  	s11 =	sshrl.u32 s6, $0x2;
	s10 =	simm.s32 @!p0 $0x0  }
0x79: {  	s10 =	ssub.s32 s11, s10  }
0x7a: {  	s11 =	smulhi.u32 $0x2AAAAAAB, s10;
	s12 =	sshra.s32 s10, $0x1F  }
0x7b: {  	s12 =	smul.u32 $0x2AAAAAAB, s12;
	_ =	sdelay $0x1  }
0x7c: {  	s11 =	sadd.s32 s12, s11  }
0x7d: {  	s12 =	sshrl.u32 s11, $0x1F;
	s11 =	sshrl.u32 s11, $0x4  }
0x7e: {  	s11 =	sadd.s32 s12, s11  }
0x7f: {  	s11 =	smul.u32 $0x60, s11;
	_ =	sdelay $0x1  }
0x80: {  	s10 =	ssub.s32 s10, s11  }
0x81: {  	_ =	swait.ge [sflag:s21], $0x3100;
	p0 =	slt.s32 s10, $0x0;
	s11 =	sadd.s32 $0x60, s10  }
0x82: {  	[sflag:s21] =	ssyncset.done $0x0;
	s10 =	smov.u32 @p0 s11;
	p0 =	seq.s32 s2, $0x0  }
0x83: {  	[sflag:s21] =	ssyncadd.s32 $0xFFFFCF00;
	s11 =	simm.s32 @!p0 $0x4  }
0x84: {  	v16 =	vmov s10;
	_ =	swait.ge @!p0 [sflag:s11], $0x3100  }
0x85: {  	[sflag:s11] =	ssyncset.done @!p0 $0x0  }
0x86: {  	s12 =	simm.s32 $0x40;
	[sflag:s11] =	ssyncadd.s32 @!p0 $0xFFFFCF00  }
0x87: {  	v17 =	vld [tilespmem:s12+$0x30]  }
0x88: {  	v18 =	vld [tilespmem:s12+$0xFFFFFFD0]  }
0x89: {  	v16 =	vld.idx.msk [tilespmem:v16+s19+$0x0], $0xffff  }
0x8a: {  	v19 =	vld [tilespmem:s12+$0xFFFFFFE0]  }
0x8b: {  	v20 =	vld [tilespmem:s12+$0xFFFFFFF0]  }
0x8c: {  	v22 =	vld [tilespmem:s12+$0x10]  }
0x8d: {  	s15 =	simm.s32 $0xC0;
	v23 =	vld [tilespmem:s12+$0xFFFFFFC0]  }
0x8e: {  	v60 =	vld [tilespmem:s15+$0xFFFFFFC0];
	v16 =	vmul.f32 $1.250000000e+01, v16  }
0x8f: {  	v21 =	vld [tilespmem:s12+$0x0]  }
0x90: {  	v17 =	vmul.f32 v17, v16  }
0x91: {  	v18 =	vmul.f32 v18, v16;
	v19 =	vmul.f32 v19, v16  }
0x92: {  	s10 =	sshll.u32 s10, $0x7;
	v20 =	vmul.f32 v20, v16;
	v22 =	vmul.f32 v22, v16;
	v25 =	vadd.f32 $5.000000000e+01, v17  }
0x93: {  	v24 =	vld [tilespmem:s12+$0x20];
	v23 =	vmul.f32 v23, v16;
	v62 =	vmul.f32 v60, v16;
	v17 =	vmov s10  }
0x94: {  	v26 =	vadd.f32 $5.000000000e+01, v19;
	v19 =	vmul.f32 v21, v16;
	v21 =	vmax.f32 v25, $0.0e+00  }
0x95: {  	v18 =	vadd.f32 $5.000000000e+01, v18;
	v20 =	vadd.f32 $5.000000000e+01, v20;
	v21 =	vmin.f32 v21, $9.900000000e+01  }
0x96: {  	v22 =	vadd.f32 $5.000000000e+01, v22;
	v23 =	vadd.f32 $5.000000000e+01, v23;
	v21 =	vtrunc.f32 v21  }
0x97: {  	v46 =	vadd.f32 $5.000000000e+01, v62;
	v27 =	vadd.f32 $5.000000000e+01, v19;
	v21 =	vcvt.f32.s32 v21  }
0x98: {  	v19 =	vmul.f32 v24, v16;
	v24 =	vmax.f32 v18, $0.0e+00;
	v28 =	vmax.f32 v26, $0.0e+00  }
0x99: {  	v31 =	vmax.f32 v23, $0.0e+00;
	v33 =	vmax.f32 v22, $0.0e+00;
	v30 =	vadd.s32 v21, v17  }
0x9a: {  	v53 =	vmax.f32 v46, $0.0e+00;
	v31 =	vmin.f32 v31, $9.900000000e+01;
	v24 =	vmin.f32 v24, $9.900000000e+01  }
0x9b: {  	v28 =	vmin.f32 v28, $9.900000000e+01;
	v33 =	vmin.f32 v33, $9.900000000e+01;
	v29 =	vadd.f32 $5.000000000e+01, v19  }
0x9c: {  	v19 =	vmax.f32 v20, $0.0e+00;
	v31 =	vtrunc.f32 v31;
	v24 =	vtrunc.f32 v24  }
0x9d: {  	v32 =	vmax.f32 v27, $0.0e+00;
	v28 =	vtrunc.f32 v28;
	v33 =	vtrunc.f32 v33  }
0x9e: {  	v19 =	vmin.f32 v19, $9.900000000e+01;
	v31 =	vcvt.f32.s32 v31;
	v24 =	vcvt.f32.s32 v24;
	v35 =	vld.idx.msk [tilespmem:v30+s23+$0x0], $0xffff  }
0x9f: {  	v32 =	vmin.f32 v32, $9.900000000e+01;
	v28 =	vcvt.f32.s32 v28;
	v21 =	vcvt.s32.f32 v21  }
0xa0: {  	v55 =	vcvt.f32.s32 v33;
	v34 =	vmax.f32 v29, $0.0e+00;
	v19 =	vtrunc.f32 v19;
	v30 =	vld.idx.msk [tilespmem:v30+s22+$0x0], $0xffff  }
0xa1: {  	v32 =	vtrunc.f32 v32;
	v37 =	vadd.s32 v31, v17;
	v21 =	vsub.f32 v25, v21  }
0xa2: {  	v34 =	vmin.f32 v34, $9.900000000e+01;
	v19 =	vcvt.f32.s32 v19;
	v38 =	vadd.s32 v24, v17  }
0xa3: {  	v57 =	vld [tilespmem:s15+$0x30];
	v39 =	vadd.s32 v28, v17;
	v31 =	vcvt.s32.f32 v31;
	v21 =	vmul.f32 v21, v35  }
0xa4: {  	v36 =	vld [tilespmem:s15+$0xFFFFFFD0];
	v50 =	vadd.s32 v55, v17;
	v28 =	vcvt.s32.f32 v28;
	v34 =	vtrunc.f32 v34  }
0xa5: {  	v25 =	vcvt.f32.s32 v32;
	v30 =	vadd.f32 v21, v30;
	v21 =	vcvt.s32.f32 v24;
	v24 =	vld [tilespmem:s15+$0xFFFFFFE0]  }
0xa6: {  	v43 =	vld [tilespmem:s15+$0xFFFFFFF0];
	v40 =	vadd.s32 v19, v17;
	v34 =	vcvt.f32.s32 v34;
	v42 =	vcvt.s32.f32 v19  }
0xa7: {  	v31 =	vsub.f32 v23, v31;
	v41 =	vadd.s32 v25, v17;
	v23 =	vcvt.s32.f32 v25  }
0xa8: {  	v56 =	vld.idx.msk [tilespmem:v37+s23+$0x0], $0xffff;
	v19 =	vsub.f32 v18, v21;
	v18 =	vsub.f32 v26, v28;
	v26 =	vmul.f32 v57, v16  }
0xa9: {  	v58 =	vld [tilespmem:s15+$0x0];
	v25 =	vcvt.s32.f32 v55;
	v23 =	vsub.f32 v27, v23;
	v27 =	vmul.f32 v36, v16  }
0xaa: {  	v59 =	vld [tilespmem:s15+$0x20];
	v20 =	vsub.f32 v20, v42;
	v42 =	vadd.f32 $5.000000000e+01, v26;
	v24 =	vmul.f32 v24, v16  }
0xab: {  	v22 =	vsub.f32 v22, v25;
	v25 =	vadd.f32 $5.000000000e+01, v27;
	v27 =	vmul.f32 v43, v16  }
0xac: {  	v21 =	vcvt.s32.f32 v34;
	v28 =	vld [tilespmem:s15+$0x10];
	v26 =	vadd.f32 $5.000000000e+01, v24;
	v24 =	vmax.f32 v42, $0.0e+00  }
0xad: {  	v44 =	vmul.f32 v31, v56;
	v31 =	vadd.f32 $5.000000000e+01, v27;
	v24 =	vmin.f32 v24, $9.900000000e+01  }
0xae: {  	v21 =	vsub.f32 v29, v21;
	v29 =	vmul.f32 v58, v16;
	v24 =	vtrunc.f32 v24  }
0xaf: {  	v61 =	vmul.f32 v59, v16;
	v53 =	vmin.f32 v53, $9.900000000e+01;
	v63 =	vcvt.f32.s32 v24  }
0xb0: {  	v53 =	vtrunc.f32 v53;
	v49 =	vld.idx.msk [tilespmem:v37+s22+$0x0], $0xffff;
	v59 =	vmax.f32 v31, $0.0e+00;
	v35 =	vadd.f32 $5.000000000e+01, v29  }
0xb1: {  	v33 =	vld.idx.msk [tilespmem:v50+s23+$0x0], $0xffff;
	v54 =	vmin.f32 v59, $9.900000000e+01;
	v28 =	vmul.f32 v28, v16;
	v45 =	vadd.s32 v63, v17  }
0xb2: {  	v51 =	vadd.s32 v34, v17;
	v32 =	vld.idx.msk [tilespmem:v40+s23+$0x0], $0xffff;
	v54 =	vtrunc.f32 v54;
	v47 =	vmax.f32 v35, $0.0e+00  }
0xb3: {  	v37 =	vld.idx.msk [tilespmem:v41+s23+$0x0], $0xffff;
	v36 =	vadd.f32 $5.000000000e+01, v28;
	v28 =	vmax.f32 v25, $0.0e+00;
	v58 =	vmax.f32 v26, $0.0e+00  }
0xb4: {  	s30 =	sshrl.u32 s6, $0x3;
	s6 =	simm.s32 $0x9340;
	v27 =	vld.idx.msk [tilespmem:v38+s23+$0x0], $0xffff;
	v47 =	vmin.f32 v47, $9.900000000e+01;
	v24 =	vadd.f32 $5.000000000e+01, v61;
	v28 =	vmin.f32 v28, $9.900000000e+01  }
0xb5: {  	[tilespmem:s6+$0x30] =	vst v30;
	v30 =	vld.idx.msk [tilespmem:v50+s22+$0x0], $0xffff;
	v34 =	vmin.f32 v58, $9.900000000e+01;
	v57 =	vtrunc.f32 v47;
	v58 =	vadd.f32 v44, v49  }
0xb6: {  	v61 =	vcvt.f32.s32 v53;
	v48 =	vmax.f32 v36, $0.0e+00;
	v28 =	vtrunc.f32 v28;
	v56 =	vld.idx.msk [tilespmem:v45+s23+$0x0], $0xffff  }
0xb7: {  	v29 =	vld.idx.msk [tilespmem:v39+s23+$0x0], $0xffff;
	v55 =	vtrunc.f32 v34;
	v52 =	vmax.f32 v24, $0.0e+00;
	v43 =	vcvt.s32.f32 v63  }
0xb8: {  	v48 =	vmin.f32 v48, $9.900000000e+01;
	v62 =	vcvt.f32.s32 v28;
	v55 =	vcvt.f32.s32 v55;
	v60 =	vld.idx.msk [tilespmem:v45+s22+$0x0], $0xffff  }
0xb9: {  	v49 =	vld.idx.msk [tilespmem:v38+s22+$0x0], $0xffff;
	v63 =	vcvt.f32.s32 v54;
	v52 =	vmin.f32 v52, $9.900000000e+01;
	v28 =	vsub.f32 v42, v43  }
0xba: {  	v47 =	vld.idx.msk [tilespmem:v39+s22+$0x0], $0xffff;
	v44 =	vadd.s32 v61, v17;
	v59 =	vtrunc.f32 v48;
	v38 =	vtrunc.f32 v52  }
0xbb: {  	v34 =	vld.idx.msk [tilespmem:v51+s23+$0x0], $0xffff;
	v52 =	vcvt.f32.s32 v57;
	v42 =	vadd.s32 v62, v17;
	v28 =	vmul.f32 v28, v56  }
0xbc: {  	s31 =	smul.u32 $0x180, s2;
	v48 =	vld.idx.msk [tilespmem:v40+s22+$0x0], $0xffff;
	v53 =	vcvt.f32.s32 v59;
	v43 =	vadd.s32 v55, v17;
	v40 =	vadd.s32 v63, v17  }
0xbd: {  	s10 =	smul.u32 $0x18800, s30;
	v57 =	vcvt.s32.f32 v61;
	v50 =	vcvt.f32.s32 v38;
	v45 =	vld.idx.msk [tilespmem:v41+s22+$0x0], $0xffff;
	v60 =	vadd.f32 v28, v60  }
0xbe: {  	s11 =	sand.u32 $0x380, s31;
	s15 =	simm.s32 $0x93C0;
	[tilespmem:s6+$0xFFFFFFC0] =	vst v58;
	v54 =	vcvt.s32.f32 v62;
	v39 =	vadd.s32 v53, v17;
	v41 =	vadd.s32 v52, v17;
	v28 =	vld.idx.msk [tilespmem:v51+s22+$0x0], $0xffff  }
0xbf: {  	s12 =	simm.s32 $0x140;
	s10 =	sor.u32 s11, s10;
	s11 =	simm.s32 $0x8;
	v38 =	vadd.s32 v50, v17;
	v56 =	vcvt.s32.f32 v55;
	v55 =	vcvt.s32.f32 v63;
	v51 =	vld.idx.msk [tilespmem:v44+s23+$0x0], $0xffff;
	[tilespmem:s15+$0x30] =	vst v60  }
.LBB2_5:
0xc0: {  	v58 =	vld [tilespmem:s12+$0x30];
	s11 =	sadd.s32 $0x8, s11;
	v46 =	vsub.f32 v46, v57;
	v52 =	vcvt.s32.f32 v52;
	v53 =	vcvt.s32.f32 v53  }
0xc1: {  	v25 =	vsub.f32 v25, v54;
	v50 =	vcvt.s32.f32 v50;
	v57 =	vld [tilespmem:s12+$0xFFFFFFD0];
	p1 =	slt.u32 s11, $0x308;
	v26 =	vsub.f32 v26, v56  }
0xc2: {  	v27 =	vmul.f32 v19, v27;
	v31 =	vsub.f32 v31, v55;
	v54 =	vld [tilespmem:s12+$0xFFFFFFE0];
	v35 =	vsub.f32 v35, v52  }
0xc3: {  	v29 =	vmul.f32 v18, v29;
	v36 =	vsub.f32 v36, v53;
	v24 =	vsub.f32 v24, v50;
	v19 =	vmovc v25;
	v52 =	vld [tilespmem:s12+$0xFFFFFFF0]  }
0xc4: {  	v25 =	vadd.f32 v27, v49;
	v27 =	vmul.f32 v20, v32;
	v32 =	vmul.f32 v23, v37;
	v18 =	vmovc v26;
	v50 =	vld [tilespmem:s12+$0x0]  }
0xc5: {  	v26 =	vadd.f32 v29, v47;
	v20 =	vmovc v31;
	v51 =	vmul.f32 v46, v51;
	v37 =	vld [tilespmem:s12+$0x10];
	v49 =	vmul.f32 v58, v16  }
0xc6: {  	v53 =	vmul.f32 v22, v33;
	v31 =	vadd.f32 v27, v48;
	v29 =	vmul.f32 v57, v16;
	v46 =	vld [tilespmem:s12+$0x20];
	[tilespmem:s6+$0xFFFFFFD0] =	vst v25  }
0xc7: {  	v55 =	vmul.f32 v21, v34;
	v23 =	vmovc v35;
	v33 =	vld [tilespmem:s12+$0xFFFFFFC0];
	v47 =	vmul.f32 v54, v16;
	v54 =	vadd.f32 $5.000000000e+01, v49;
	[tilespmem:s6+$0xFFFFFFE0] =	vst v26  }
0xc8: {  	v35 =	vadd.f32 v32, v45;
	v25 =	vadd.f32 $5.000000000e+01, v29;
	v34 =	vmul.f32 v52, v16;
	v27 =	vld.idx.msk [tilespmem:v42+s23+$0x0], $0xffff;
	[tilespmem:s6+$0xFFFFFFF0] =	vst v31  }
0xc9: {  	v22 =	vmovc v36;
	v21 =	vmovc v24;
	v26 =	vadd.f32 $5.000000000e+01, v47;
	v45 =	vmul.f32 v50, v16;
	v32 =	vmax.f32 v54, $0.0e+00;
	v29 =	vld.idx.msk [tilespmem:v43+s23+$0x0], $0xffff  }
0xca: {  	v31 =	vadd.f32 $5.000000000e+01, v34;
	v24 =	vmul.f32 v37, v16;
	v34 =	vmin.f32 v32, $9.900000000e+01;
	v32 =	vld.idx.msk [tilespmem:v40+s23+$0x0], $0xffff;
	[tilespmem:s6+$0x0] =	vst v35  }
0xcb: {  	v35 =	vadd.f32 $5.000000000e+01, v45;
	v45 =	vmul.f32 v46, v16;
	v34 =	vtrunc.f32 v34;
	v37 =	vld.idx.msk [tilespmem:v41+s23+$0x0], $0xffff  }
0xcc: {  	v46 =	vmul.f32 v33, v16;
	v36 =	vadd.f32 $5.000000000e+01, v24;
	v50 =	vcvt.f32.s32 v34;
	v33 =	vld.idx.msk [tilespmem:v39+s23+$0x0], $0xffff  }
0xcd: {  	v47 =	vmax.f32 v25, $0.0e+00;
	v48 =	vmax.f32 v26, $0.0e+00;
	v24 =	vadd.f32 $5.000000000e+01, v45;
	v34 =	vld.idx.msk [tilespmem:v38+s23+$0x0], $0xffff  }
0xce: {  	v45 =	vmax.f32 v31, $0.0e+00;
	v46 =	vadd.f32 $5.000000000e+01, v46;
	v52 =	vadd.s32 v50, v17;
	v44 =	vld.idx.msk [tilespmem:v44+s22+$0x0], $0xffff  }
0xcf: {  	v56 =	vmax.f32 v35, $0.0e+00;
	v57 =	vmax.f32 v36, $0.0e+00;
	v58 =	vmax.f32 v24, $0.0e+00;
	v49 =	vld.idx.msk [tilespmem:v42+s22+$0x0], $0xffff  }
0xd0: {  	v59 =	vmin.f32 v47, $9.900000000e+01;
	v60 =	vmin.f32 v48, $9.900000000e+01;
	v42 =	vmax.f32 v46, $0.0e+00;
	v47 =	vld.idx.msk [tilespmem:v43+s22+$0x0], $0xffff  }
0xd1: {  	v56 =	vmin.f32 v56, $9.900000000e+01;
	v43 =	vmin.f32 v45, $9.900000000e+01;
	v42 =	vmin.f32 v42, $9.900000000e+01;
	v48 =	vld.idx.msk [tilespmem:v40+s22+$0x0], $0xffff  }
0xd2: {  	v40 =	vtrunc.f32 v42;
	v42 =	vmin.f32 v57, $9.900000000e+01;
	v57 =	vmin.f32 v58, $9.900000000e+01;
	v45 =	vld.idx.msk [tilespmem:v41+s22+$0x0], $0xffff  }
0xd3: {  	v53 =	vadd.f32 v53, v30;
	v41 =	vtrunc.f32 v59;
	v58 =	vtrunc.f32 v60;
	v59 =	vld.idx.msk [tilespmem:v52+s23+$0x0], $0xffff  }
0xd4: {  	v56 =	vtrunc.f32 v56;
	v43 =	vtrunc.f32 v43;
	v44 =	vadd.f32 v51, v44;
	v30 =	vld.idx.msk [tilespmem:v39+s22+$0x0], $0xffff  }
0xd5: {  	v39 =	vtrunc.f32 v42;
	v42 =	vcvt.s32.f32 v50;
	v50 =	vadd.f32 v55, v28;
	v51 =	vld.idx.msk [tilespmem:v52+s22+$0x0], $0xffff;
	[tilespmem:s6+$0x10] =	vst v53  }
0xd6: {  	v57 =	vtrunc.f32 v57;
	v55 =	vcvt.f32.s32 v40;
	[tilespmem:s15+$0xFFFFFFC0] =	vst v44;
	v28 =	vld.idx.msk [tilespmem:v38+s22+$0x0], $0xffff  }
0xd7: {  	v58 =	vcvt.f32.s32 v58;
	v38 =	vcvt.f32.s32 v41;
	v40 =	vsub.f32 v54, v42;
	[tilespmem:s6+$0x20] =	vst v50;
	s6 =	smov.u32 s15  }
0xd8: {  	v60 =	vcvt.f32.s32 v43;
	v52 =	vcvt.f32.s32 v56;
	v44 =	vadd.s32 v55, v17  }
.Ltmp3:
0xd9: {  	v53 =	vcvt.f32.s32 v39;
	v42 =	vadd.s32 v38, v17;
	v54 =	vmul.f32 v40, v59;
	(pc) =	sbr.rel @p1 .LBB2_5-.Ltmp3, $4  }
0xda: {  	v43 =	vadd.s32 v58, v17;
	v50 =	vcvt.f32.s32 v57;
	v40 =	vadd.s32 v60, v17  }
0xdb: {  	v41 =	vadd.s32 v52, v17;
	v39 =	vadd.s32 v53, v17;
	v59 =	vadd.f32 v54, v51  }
0xdc: {  	v57 =	vcvt.s32.f32 v55;
	s15 =	sadd.s32 $0x80, s15;
	v54 =	vcvt.s32.f32 v38;
	v38 =	vadd.s32 v50, v17  }
0xdd: {  	s12 =	sadd.s32 $0x80, s12;
	v56 =	vcvt.s32.f32 v58;
	v55 =	vcvt.s32.f32 v60;
	v51 =	vld.idx.msk [tilespmem:v44+s23+$0x0], $0xffff;
	[tilespmem:s15+$0x30] =	vst v59  }
0xde: {  	_ =	sdelay $0x3  }
0xdf: {  	v16 =	vld.idx.msk [tilespmem:v42+s23+$0x0], $0xffff  }
0xe0: {  	v17 =	vld.idx.msk [tilespmem:v43+s23+$0x0], $0xffff  }
0xe1: {  	v46 =	vsub.f32 v46, v57;
	v63 =	vld.idx.msk [tilespmem:v40+s23+$0x0], $0xffff  }
0xe2: {  	v52 =	vcvt.s32.f32 v52;
	v25 =	vsub.f32 v25, v54;
	v19 =	vmul.f32 v19, v27;
	v27 =	vld.idx.msk [tilespmem:v41+s23+$0x0], $0xffff  }
0xe3: {  	v18 =	vmul.f32 v18, v29;
	v29 =	vld.idx.msk [tilespmem:v39+s23+$0x0], $0xffff;
	v20 =	vmul.f32 v20, v32;
	v26 =	vsub.f32 v26, v56  }
0xe4: {  	v23 =	vmul.f32 v23, v37;
	v35 =	vsub.f32 v35, v52;
	v19 =	vadd.f32 v19, v49;
	v52 =	vld.idx.msk [tilespmem:v44+s22+$0x0], $0xffff  }
0xe5: {  	v54 =	vld.idx.msk [tilespmem:v38+s23+$0x0], $0xffff;
	v21 =	vmul.f32 v21, v34;
	v31 =	vsub.f32 v31, v55;
	v18 =	vadd.f32 v18, v47  }
0xe6: {  	v53 =	vcvt.s32.f32 v53;
	[tilespmem:s6+$0xFFFFFFD0] =	vst v19;
	v19 =	vadd.f32 v20, v48;
	v20 =	vmul.f32 v22, v33;
	v22 =	vld.idx.msk [tilespmem:v42+s22+$0x0], $0xffff  }
0xe7: {  	v55 =	vmul.f32 v46, v51;
	[tilespmem:s6+$0xFFFFFFE0] =	vst v18;
	v18 =	vadd.f32 v23, v45;
	v23 =	vld.idx.msk [tilespmem:v43+s22+$0x0], $0xffff  }
0xe8: {  	v36 =	vsub.f32 v36, v53;
	[tilespmem:s6+$0xFFFFFFF0] =	vst v19;
	v19 =	vld.idx.msk [tilespmem:v40+s22+$0x0], $0xffff;
	v20 =	vadd.f32 v20, v30  }
0xe9: {  	v16 =	vmul.f32 v25, v16;
	[tilespmem:s6+$0x0] =	vst v18;
	v18 =	vld.idx.msk [tilespmem:v41+s22+$0x0], $0xffff;
	v30 =	vadd.f32 v55, v52  }
0xea: {  	v56 =	vld.idx.msk [tilespmem:v39+s22+$0x0], $0xffff;
	v25 =	vcvt.s32.f32 v50;
	v17 =	vmul.f32 v26, v17;
	[tilespmem:s6+$0x10] =	vst v20;
	v20 =	vadd.f32 v21, v28  }
0xeb: {  	v21 =	vld.idx.msk [tilespmem:v38+s22+$0x0], $0xffff;
	[tilespmem:s15+$0xFFFFFFC0] =	vst v30;
	v16 =	vadd.f32 v16, v22;
	v22 =	vmul.f32 v31, v63  }
0xec: {  	v24 =	vsub.f32 v24, v25;
	v17 =	vadd.f32 v17, v23;
	[tilespmem:s6+$0x20] =	vst v20;
	v20 =	vmul.f32 v35, v27  }
0xed: {  	[tilespmem:s15+$0xFFFFFFD0] =	vst v16;
	v16 =	vadd.f32 v22, v19;
	v19 =	vmul.f32 v36, v29  }
0xee: {  	[tilespmem:s15+$0xFFFFFFE0] =	vst v17;
	v17 =	vmul.f32 v24, v54;
	v18 =	vadd.f32 v20, v18  }
0xef: {  	[tilespmem:s15+$0xFFFFFFF0] =	vst v16;
	v16 =	vadd.f32 v19, v56  }
0xf0: {  	v17 =	vadd.f32 v17, v21;
	[tilespmem:s15+$0x0] =	vst v18  }
0xf1: {  	s30 =	sshrl.u32 s10, $0x3;
	[tilespmem:s15+$0x10] =	vst v16  }
0xf2: {  	p1 =	seq.s32 s2, $0xF;
	s6 =	sadd.s32 s7, s30;
	[tilespmem:s15+$0x20] =	vst v17  }
0xf3: {  	[hbm4b:s6+s13] =	stream.strided.scatter [tilespmem:s24], [sflag:$0x4], $0x3100, s14, s13, $0x38;
	[tilespmem:$0x1AD00] =	vst v63  }
0xf4: {  	s6 =	sadd.s32 @!p1 $0x3, s4  }
0xf5: {  	s10 =	sadd.s32 @!p1 s5, s6  }
0xf6: {  	s11 =	sshrl.u32 @!p1 s10, $0x3;
	s10 =	sadd.s32 $0x1, s4  }
0xf7: {  	s12 =	sshll.u32 @!p1 s6, $0x7;
	s11 =	smul.u32 @!p1 $0x18800, s11;
	s6 =	sadd.s32 s5, s10  }
0xf8: {  	s12 =	sand.u32 @!p1 $0x380, s12;
	s15 =	sshrl.u32 s6, $0x2  }
0xf9: {  	s11 =	sor.u32 @!p1 s12, s11;
	s31 =	smulhi.u32 $0x2AAAAAAB, s15  }
0xfa: {  	s9 =	simm.s32 @!p1 $0x80;
	s30 =	simm.s32 @!p1 $0x400;
	s11 =	sshrl.u32 @!p1 s11, $0x3  }
0xfb: {  	s11 =	sadd.s32 @!p1 s1, s11;
	s12 =	sshrl.u32 s31, $0x4;
	s31 =	simm.s32 @!p1 $0x0  }
0xfc: {  	[tilespmem:s31], [sflag:$0x1] =	stream.strided.gather @!p1 [hbm4b:s11+s9], $0x3100, s30, s9, $0x38;
	[tilespmem:$0x1AD00] =	vst v63  }
0xfd: {  	_ =	swait.ge [sflag:s25], $0x3100  }
0xfe: {  	s12 =	smul.u32 $0x60, s12;
	[sflag:s25] =	ssyncset.done $0x0  }
0xff: {  	s11 =	simm.s32 @!p0 $0x5;
	[sflag:s25] =	ssyncadd.s32 $0xFFFFCF00  }
0x100: {  	s12 =	ssub.s32 s15, s12;
	_ =	swait.ge @!p0 [sflag:s11], $0x3100  }
0x101: {  	v16 =	vmov s12;
	[sflag:s11] =	ssyncset.done @!p0 $0x0  }
0x102: {  	s15 =	simm.s32 $0x3140;
	[sflag:s11] =	ssyncadd.s32 @!p0 $0xFFFFCF00  }
0x103: {  	v17 =	vld [tilespmem:s15+$0x30]  }
0x104: {  	v18 =	vld [tilespmem:s15+$0xFFFFFFD0]  }
0x105: {  	v19 =	vld [tilespmem:s15+$0xFFFFFFE0]  }
0x106: {  	v16 =	vld.idx.msk [tilespmem:v16+s19+$0x0], $0xffff  }
0x107: {  	v20 =	vld [tilespmem:s15+$0xFFFFFFF0]  }
0x108: {  	v22 =	vld [tilespmem:s15+$0x10]  }
0x109: {  	s30 =	simm.s32 $0x31C0;
	v23 =	vld [tilespmem:s15+$0xFFFFFFC0]  }
0x10a: {  	v52 =	vld [tilespmem:s30+$0x20]  }
0x10b: {  	v53 =	vld [tilespmem:s30+$0xFFFFFFC0];
	v16 =	vmul.f32 $1.250000000e+01, v16  }
0x10c: {  	v21 =	vld [tilespmem:s15+$0x0]  }
0x10d: {  	v17 =	vmul.f32 v17, v16;
	v18 =	vmul.f32 v18, v16  }
0x10e: {  	v19 =	vmul.f32 v19, v16;
	v20 =	vmul.f32 v20, v16  }
0x10f: {  	v22 =	vmul.f32 v22, v16;
	v23 =	vmul.f32 v23, v16;
	v25 =	vadd.f32 $5.000000000e+01, v17  }
0x110: {  	v24 =	vld [tilespmem:s15+$0x20];
	v54 =	vmul.f32 v52, v16;
	v55 =	vmul.f32 v53, v16  }
0x111: {  	s9 =	sshll.u32 s12, $0x7;
	v26 =	vadd.f32 $5.000000000e+01, v19;
	v19 =	vmul.f32 v21, v16;
	v21 =	vmax.f32 v25, $0.0e+00  }
0x112: {  	v17 =	vmov s9;
	v18 =	vadd.f32 $5.000000000e+01, v18;
	v21 =	vmin.f32 v21, $9.900000000e+01  }
0x113: {  	v20 =	vadd.f32 $5.000000000e+01, v20;
	v22 =	vadd.f32 $5.000000000e+01, v22;
	v21 =	vtrunc.f32 v21  }
0x114: {  	v23 =	vadd.f32 $5.000000000e+01, v23;
	v27 =	vadd.f32 $5.000000000e+01, v19;
	v21 =	vcvt.f32.s32 v21  }
0x115: {  	v19 =	vmul.f32 v24, v16;
	v24 =	vmax.f32 v18, $0.0e+00;
	v28 =	vmax.f32 v26, $0.0e+00  }
0x116: {  	v31 =	vmax.f32 v23, $0.0e+00;
	v58 =	vmax.f32 v22, $0.0e+00;
	v30 =	vadd.s32 v21, v17  }
0x117: {  	v31 =	vmin.f32 v31, $9.900000000e+01;
	v24 =	vmin.f32 v24, $9.900000000e+01;
	v28 =	vmin.f32 v28, $9.900000000e+01  }
0x118: {  	v33 =	vmin.f32 v58, $9.900000000e+01;
	v29 =	vadd.f32 $5.000000000e+01, v19;
	v31 =	vtrunc.f32 v31  }
0x119: {  	v19 =	vmax.f32 v20, $0.0e+00;
	v24 =	vtrunc.f32 v24;
	v28 =	vtrunc.f32 v28  }
0x11a: {  	v57 =	vmax.f32 v27, $0.0e+00;
	v33 =	vtrunc.f32 v33;
	v31 =	vcvt.f32.s32 v31  }
0x11b: {  	v19 =	vmin.f32 v19, $9.900000000e+01;
	v24 =	vcvt.f32.s32 v24;
	v28 =	vcvt.f32.s32 v28;
	v60 =	vld.idx.msk [tilespmem:v30+s23+$0x0], $0xffff  }
0x11c: {  	v32 =	vmin.f32 v57, $9.900000000e+01;
	v62 =	vcvt.f32.s32 v33;
	v21 =	vcvt.s32.f32 v21  }
0x11d: {  	v59 =	vmax.f32 v29, $0.0e+00;
	v19 =	vtrunc.f32 v19;
	v32 =	vtrunc.f32 v32;
	v30 =	vld.idx.msk [tilespmem:v30+s22+$0x0], $0xffff  }
0x11e: {  	v61 =	vadd.s32 v31, v17;
	v34 =	vmin.f32 v59, $9.900000000e+01;
	v21 =	vsub.f32 v25, v21  }
0x11f: {  	v19 =	vcvt.f32.s32 v19;
	v38 =	vadd.s32 v24, v17;
	v31 =	vcvt.s32.f32 v31  }
0x120: {  	v45 =	vld [tilespmem:s30+$0x30];
	v39 =	vadd.s32 v28, v17;
	v28 =	vcvt.s32.f32 v28;
	v21 =	vmul.f32 v21, v60  }
0x121: {  	v46 =	vld [tilespmem:s30+$0xFFFFFFD0];
	v50 =	vadd.s32 v62, v17;
	v34 =	vtrunc.f32 v34;
	v25 =	vcvt.f32.s32 v32  }
0x122: {  	v40 =	vadd.s32 v19, v17;
	v30 =	vadd.f32 v21, v30;
	v21 =	vcvt.s32.f32 v24;
	v24 =	vld [tilespmem:s30+$0xFFFFFFE0]  }
0x123: {  	v34 =	vcvt.f32.s32 v34;
	v47 =	vcvt.s32.f32 v19;
	v31 =	vsub.f32 v23, v31  }
0x124: {  	v41 =	vadd.s32 v25, v17;
	v23 =	vcvt.s32.f32 v25;
	v25 =	vcvt.s32.f32 v62  }
0x125: {  	v48 =	vld [tilespmem:s30+$0xFFFFFFF0];
	v19 =	vsub.f32 v18, v21;
	v18 =	vsub.f32 v26, v28;
	v26 =	vmul.f32 v45, v16  }
0x126: {  	v49 =	vld [tilespmem:s30+$0x0];
	v20 =	vsub.f32 v20, v47;
	v23 =	vsub.f32 v27, v23;
	v27 =	vmul.f32 v46, v16  }
0x127: {  	v63 =	vld.idx.msk [tilespmem:v61+s23+$0x0], $0xffff;
	v22 =	vsub.f32 v22, v25;
	v42 =	vadd.f32 $5.000000000e+01, v26;
	v24 =	vmul.f32 v24, v16  }
0x128: {  	v51 =	vadd.s32 v34, v17;
	v46 =	vadd.f32 $5.000000000e+01, v55;
	v25 =	vadd.f32 $5.000000000e+01, v27;
	v28 =	vld [tilespmem:s30+$0x10]  }
0x129: {  	v21 =	vcvt.s32.f32 v34;
	v26 =	vadd.f32 $5.000000000e+01, v24;
	v24 =	vmax.f32 v42, $0.0e+00  }
0x12a: {  	v27 =	vmul.f32 v48, v16;
	v62 =	vmax.f32 v46, $0.0e+00;
	v24 =	vmin.f32 v24, $9.900000000e+01  }
0x12b: {  	v21 =	vsub.f32 v29, v21;
	v29 =	vmul.f32 v49, v16;
	v24 =	vtrunc.f32 v24  }
0x12c: {  	v44 =	vmul.f32 v31, v63;
	v31 =	vadd.f32 $5.000000000e+01, v27;
	v60 =	vld.idx.msk [tilespmem:v61+s22+$0x0], $0xffff;
	v43 =	vcvt.f32.s32 v24  }
0x12d: {  	v53 =	vmin.f32 v62, $9.900000000e+01;
	v35 =	vadd.f32 $5.000000000e+01, v29;
	v28 =	vmul.f32 v28, v16  }
0x12e: {  	v33 =	vld.idx.msk [tilespmem:v50+s23+$0x0], $0xffff;
	v53 =	vtrunc.f32 v53;
	v57 =	vmax.f32 v31, $0.0e+00;
	v45 =	vadd.s32 v43, v17  }
0x12f: {  	v32 =	vld.idx.msk [tilespmem:v40+s23+$0x0], $0xffff;
	v63 =	vmin.f32 v57, $9.900000000e+01;
	v58 =	vmax.f32 v35, $0.0e+00;
	v36 =	vadd.f32 $5.000000000e+01, v28  }
0x130: {  	v37 =	vld.idx.msk [tilespmem:v41+s23+$0x0], $0xffff;
	v28 =	vmax.f32 v25, $0.0e+00;
	v56 =	vmax.f32 v26, $0.0e+00;
	v47 =	vmin.f32 v58, $9.900000000e+01  }
0x131: {  	s31 =	sshrl.u32 s6, $0x3;
	s6 =	simm.s32 $0xC440;
	v27 =	vld.idx.msk [tilespmem:v38+s23+$0x0], $0xffff;
	v58 =	vadd.f32 v44, v60;
	v24 =	vadd.f32 $5.000000000e+01, v54;
	v28 =	vmin.f32 v28, $9.900000000e+01  }
0x132: {  	[tilespmem:s6+$0x30] =	vst v30;
	v30 =	vld.idx.msk [tilespmem:v50+s22+$0x0], $0xffff;
	v34 =	vmin.f32 v56, $9.900000000e+01;
	v54 =	vtrunc.f32 v63;
	v57 =	vtrunc.f32 v47  }
0x133: {  	v59 =	vmax.f32 v36, $0.0e+00;
	v28 =	vtrunc.f32 v28;
	v55 =	vtrunc.f32 v34;
	v56 =	vld.idx.msk [tilespmem:v45+s23+$0x0], $0xffff  }
0x134: {  	v49 =	vld.idx.msk [tilespmem:v38+s22+$0x0], $0xffff;
	v63 =	vcvt.f32.s32 v54;
	v61 =	vmax.f32 v24, $0.0e+00;
	v43 =	vcvt.s32.f32 v43  }
0x135: {  	v48 =	vmin.f32 v59, $9.900000000e+01;
	v52 =	vmin.f32 v61, $9.900000000e+01;
	v61 =	vcvt.f32.s32 v53;
	v60 =	vld.idx.msk [tilespmem:v45+s22+$0x0], $0xffff  }
0x136: {  	v29 =	vld.idx.msk [tilespmem:v39+s23+$0x0], $0xffff;
	v62 =	vcvt.f32.s32 v28;
	v55 =	vcvt.f32.s32 v55;
	v28 =	vsub.f32 v42, v43  }
0x137: {  	v47 =	vld.idx.msk [tilespmem:v39+s22+$0x0], $0xffff;
	v59 =	vtrunc.f32 v48;
	v38 =	vtrunc.f32 v52;
	v44 =	vadd.s32 v61, v17  }
0x138: {  	v48 =	vld.idx.msk [tilespmem:v40+s22+$0x0], $0xffff;
	v40 =	vadd.s32 v63, v17;
	v52 =	vcvt.f32.s32 v57;
	v28 =	vmul.f32 v28, v56  }
0x139: {  	v34 =	vld.idx.msk [tilespmem:v51+s23+$0x0], $0xffff;
	v42 =	vadd.s32 v62, v17;
	v53 =	vcvt.f32.s32 v59;
	v43 =	vadd.s32 v55, v17  }
0x13a: {  	s10 =	sshll.u32 s10, $0x7;
	s9 =	smul.u32 $0x18800, s31;
	v54 =	vcvt.s32.f32 v62;
	v50 =	vcvt.f32.s32 v38;
	v45 =	vld.idx.msk [tilespmem:v41+s22+$0x0], $0xffff;
	v60 =	vadd.f32 v28, v60  }
0x13b: {  	s10 =	sand.u32 $0x380, s10;
	s15 =	simm.s32 $0xC4C0;
	[tilespmem:s6+$0xFFFFFFC0] =	vst v58;
	v57 =	vcvt.s32.f32 v61;
	v39 =	vadd.s32 v53, v17;
	v41 =	vadd.s32 v52, v17;
	v28 =	vld.idx.msk [tilespmem:v51+s22+$0x0], $0xffff  }
0x13c: {  	s12 =	simm.s32 $0x3240;
	s11 =	simm.s32 $0x8;
	s10 =	sor.u32 s10, s9;
	v38 =	vadd.s32 v50, v17;
	v56 =	vcvt.s32.f32 v55;
	v55 =	vcvt.s32.f32 v63;
	v51 =	vld.idx.msk [tilespmem:v44+s23+$0x0], $0xffff;
	[tilespmem:s15+$0x30] =	vst v60  }
.LBB2_7:
0x13d: {  	v58 =	vld [tilespmem:s12+$0x30];
	s11 =	sadd.s32 $0x8, s11;
	v46 =	vsub.f32 v46, v57;
	v52 =	vcvt.s32.f32 v52;
	v53 =	vcvt.s32.f32 v53  }
0x13e: {  	v25 =	vsub.f32 v25, v54;
	v50 =	vcvt.s32.f32 v50;
	v57 =	vld [tilespmem:s12+$0xFFFFFFD0];
	p2 =	slt.u32 s11, $0x308;
	v26 =	vsub.f32 v26, v56  }
0x13f: {  	v27 =	vmul.f32 v19, v27;
	v31 =	vsub.f32 v31, v55;
	v54 =	vld [tilespmem:s12+$0xFFFFFFE0];
	v35 =	vsub.f32 v35, v52  }
0x140: {  	v29 =	vmul.f32 v18, v29;
	v36 =	vsub.f32 v36, v53;
	v24 =	vsub.f32 v24, v50;
	v19 =	vmovc v25;
	v52 =	vld [tilespmem:s12+$0xFFFFFFF0]  }
0x141: {  	v25 =	vadd.f32 v27, v49;
	v27 =	vmul.f32 v20, v32;
	v32 =	vmul.f32 v23, v37;
	v18 =	vmovc v26;
	v50 =	vld [tilespmem:s12+$0x0]  }
0x142: {  	v26 =	vadd.f32 v29, v47;
	v20 =	vmovc v31;
	v51 =	vmul.f32 v46, v51;
	v37 =	vld [tilespmem:s12+$0x10];
	v49 =	vmul.f32 v58, v16  }
0x143: {  	v53 =	vmul.f32 v22, v33;
	v31 =	vadd.f32 v27, v48;
	v29 =	vmul.f32 v57, v16;
	v46 =	vld [tilespmem:s12+$0x20];
	[tilespmem:s6+$0xFFFFFFD0] =	vst v25  }
0x144: {  	v55 =	vmul.f32 v21, v34;
	v23 =	vmovc v35;
	v33 =	vld [tilespmem:s12+$0xFFFFFFC0];
	v47 =	vmul.f32 v54, v16;
	v54 =	vadd.f32 $5.000000000e+01, v49;
	[tilespmem:s6+$0xFFFFFFE0] =	vst v26  }
0x145: {  	v35 =	vadd.f32 v32, v45;
	v25 =	vadd.f32 $5.000000000e+01, v29;
	v34 =	vmul.f32 v52, v16;
	v27 =	vld.idx.msk [tilespmem:v42+s23+$0x0], $0xffff;
	[tilespmem:s6+$0xFFFFFFF0] =	vst v31  }
0x146: {  	v22 =	vmovc v36;
	v21 =	vmovc v24;
	v26 =	vadd.f32 $5.000000000e+01, v47;
	v45 =	vmul.f32 v50, v16;
	v32 =	vmax.f32 v54, $0.0e+00;
	v29 =	vld.idx.msk [tilespmem:v43+s23+$0x0], $0xffff  }
0x147: {  	v31 =	vadd.f32 $5.000000000e+01, v34;
	v24 =	vmul.f32 v37, v16;
	v34 =	vmin.f32 v32, $9.900000000e+01;
	v32 =	vld.idx.msk [tilespmem:v40+s23+$0x0], $0xffff;
	[tilespmem:s6+$0x0] =	vst v35  }
0x148: {  	v35 =	vadd.f32 $5.000000000e+01, v45;
	v45 =	vmul.f32 v46, v16;
	v34 =	vtrunc.f32 v34;
	v37 =	vld.idx.msk [tilespmem:v41+s23+$0x0], $0xffff  }
0x149: {  	v46 =	vmul.f32 v33, v16;
	v36 =	vadd.f32 $5.000000000e+01, v24;
	v50 =	vcvt.f32.s32 v34;
	v33 =	vld.idx.msk [tilespmem:v39+s23+$0x0], $0xffff  }
0x14a: {  	v47 =	vmax.f32 v25, $0.0e+00;
	v48 =	vmax.f32 v26, $0.0e+00;
	v24 =	vadd.f32 $5.000000000e+01, v45;
	v34 =	vld.idx.msk [tilespmem:v38+s23+$0x0], $0xffff  }
0x14b: {  	v45 =	vmax.f32 v31, $0.0e+00;
	v46 =	vadd.f32 $5.000000000e+01, v46;
	v52 =	vadd.s32 v50, v17;
	v44 =	vld.idx.msk [tilespmem:v44+s22+$0x0], $0xffff  }
0x14c: {  	v56 =	vmax.f32 v35, $0.0e+00;
	v57 =	vmax.f32 v36, $0.0e+00;
	v58 =	vmax.f32 v24, $0.0e+00;
	v49 =	vld.idx.msk [tilespmem:v42+s22+$0x0], $0xffff  }
0x14d: {  	v59 =	vmin.f32 v47, $9.900000000e+01;
	v60 =	vmin.f32 v48, $9.900000000e+01;
	v42 =	vmax.f32 v46, $0.0e+00;
	v47 =	vld.idx.msk [tilespmem:v43+s22+$0x0], $0xffff  }
0x14e: {  	v56 =	vmin.f32 v56, $9.900000000e+01;
	v43 =	vmin.f32 v45, $9.900000000e+01;
	v42 =	vmin.f32 v42, $9.900000000e+01;
	v48 =	vld.idx.msk [tilespmem:v40+s22+$0x0], $0xffff  }
0x14f: {  	v40 =	vtrunc.f32 v42;
	v42 =	vmin.f32 v57, $9.900000000e+01;
	v57 =	vmin.f32 v58, $9.900000000e+01;
	v45 =	vld.idx.msk [tilespmem:v41+s22+$0x0], $0xffff  }
0x150: {  	v53 =	vadd.f32 v53, v30;
	v41 =	vtrunc.f32 v59;
	v58 =	vtrunc.f32 v60;
	v59 =	vld.idx.msk [tilespmem:v52+s23+$0x0], $0xffff  }
0x151: {  	v56 =	vtrunc.f32 v56;
	v43 =	vtrunc.f32 v43;
	v44 =	vadd.f32 v51, v44;
	v30 =	vld.idx.msk [tilespmem:v39+s22+$0x0], $0xffff  }
0x152: {  	v39 =	vtrunc.f32 v42;
	v42 =	vcvt.s32.f32 v50;
	v50 =	vadd.f32 v55, v28;
	v51 =	vld.idx.msk [tilespmem:v52+s22+$0x0], $0xffff;
	[tilespmem:s6+$0x10] =	vst v53  }
0x153: {  	v57 =	vtrunc.f32 v57;
	v55 =	vcvt.f32.s32 v40;
	[tilespmem:s15+$0xFFFFFFC0] =	vst v44;
	v28 =	vld.idx.msk [tilespmem:v38+s22+$0x0], $0xffff  }
0x154: {  	v58 =	vcvt.f32.s32 v58;
	v38 =	vcvt.f32.s32 v41;
	v40 =	vsub.f32 v54, v42;
	[tilespmem:s6+$0x20] =	vst v50;
	s6 =	smov.u32 s15  }
0x155: {  	v60 =	vcvt.f32.s32 v43;
	v52 =	vcvt.f32.s32 v56;
	v44 =	vadd.s32 v55, v17  }
.Ltmp4:
0x156: {  	v53 =	vcvt.f32.s32 v39;
	v42 =	vadd.s32 v38, v17;
	v54 =	vmul.f32 v40, v59;
	(pc) =	sbr.rel @p2 .LBB2_7-.Ltmp4, $4  }
0x157: {  	v43 =	vadd.s32 v58, v17;
	v50 =	vcvt.f32.s32 v57;
	v40 =	vadd.s32 v60, v17  }
0x158: {  	v41 =	vadd.s32 v52, v17;
	v39 =	vadd.s32 v53, v17;
	v59 =	vadd.f32 v54, v51  }
0x159: {  	v57 =	vcvt.s32.f32 v55;
	s15 =	sadd.s32 $0x80, s15;
	v54 =	vcvt.s32.f32 v38;
	v38 =	vadd.s32 v50, v17  }
0x15a: {  	s12 =	sadd.s32 $0x80, s12;
	v56 =	vcvt.s32.f32 v58;
	v55 =	vcvt.s32.f32 v60;
	v51 =	vld.idx.msk [tilespmem:v44+s23+$0x0], $0xffff;
	[tilespmem:s15+$0x30] =	vst v59  }
0x15b: {  	_ =	sdelay $0x3  }
0x15c: {  	v16 =	vld.idx.msk [tilespmem:v42+s23+$0x0], $0xffff  }
0x15d: {  	v17 =	vld.idx.msk [tilespmem:v43+s23+$0x0], $0xffff  }
0x15e: {  	v46 =	vsub.f32 v46, v57;
	v60 =	vld.idx.msk [tilespmem:v40+s23+$0x0], $0xffff  }
0x15f: {  	v52 =	vcvt.s32.f32 v52;
	v25 =	vsub.f32 v25, v54;
	v19 =	vmul.f32 v19, v27;
	v27 =	vld.idx.msk [tilespmem:v41+s23+$0x0], $0xffff  }
0x160: {  	v18 =	vmul.f32 v18, v29;
	v29 =	vld.idx.msk [tilespmem:v39+s23+$0x0], $0xffff;
	v20 =	vmul.f32 v20, v32;
	v26 =	vsub.f32 v26, v56  }
0x161: {  	v61 =	vld.idx.msk [tilespmem:v44+s22+$0x0], $0xffff;
	v23 =	vmul.f32 v23, v37;
	v31 =	vsub.f32 v31, v55;
	v19 =	vadd.f32 v19, v49  }
0x162: {  	v62 =	vld.idx.msk [tilespmem:v38+s23+$0x0], $0xffff;
	v21 =	vmul.f32 v21, v34;
	v35 =	vsub.f32 v35, v52;
	v18 =	vadd.f32 v18, v47  }
0x163: {  	v53 =	vcvt.s32.f32 v53;
	[tilespmem:s6+$0xFFFFFFD0] =	vst v19;
	v19 =	vadd.f32 v20, v48;
	v20 =	vmul.f32 v22, v33;
	v22 =	vld.idx.msk [tilespmem:v42+s22+$0x0], $0xffff  }
0x164: {  	v63 =	vmul.f32 v46, v51;
	[tilespmem:s6+$0xFFFFFFE0] =	vst v18;
	v18 =	vadd.f32 v23, v45;
	v23 =	vld.idx.msk [tilespmem:v43+s22+$0x0], $0xffff  }
0x165: {  	v36 =	vsub.f32 v36, v53;
	[tilespmem:s6+$0xFFFFFFF0] =	vst v19;
	v19 =	vld.idx.msk [tilespmem:v40+s22+$0x0], $0xffff;
	v20 =	vadd.f32 v20, v30  }
0x166: {  	v16 =	vmul.f32 v25, v16;
	[tilespmem:s6+$0x0] =	vst v18;
	v18 =	vld.idx.msk [tilespmem:v41+s22+$0x0], $0xffff;
	v30 =	vadd.f32 v63, v61  }
0x167: {  	v25 =	vcvt.s32.f32 v50;
	v17 =	vmul.f32 v26, v17;
	v41 =	vld.idx.msk [tilespmem:v39+s22+$0x0], $0xffff;
	[tilespmem:s6+$0x10] =	vst v20;
	v20 =	vadd.f32 v21, v28  }
0x168: {  	[tilespmem:s15+$0xFFFFFFC0] =	vst v30;
	v21 =	vld.idx.msk [tilespmem:v38+s22+$0x0], $0xffff;
	v16 =	vadd.f32 v16, v22;
	v22 =	vmul.f32 v31, v60  }
0x169: {  	v24 =	vsub.f32 v24, v25;
	v17 =	vadd.f32 v17, v23;
	[tilespmem:s6+$0x20] =	vst v20;
	v20 =	vmul.f32 v35, v27  }
0x16a: {  	[tilespmem:s15+$0xFFFFFFD0] =	vst v16;
	v16 =	vadd.f32 v22, v19;
	v19 =	vmul.f32 v36, v29  }
0x16b: {  	[tilespmem:s15+$0xFFFFFFE0] =	vst v17;
	v17 =	vmul.f32 v24, v62;
	v18 =	vadd.f32 v20, v18  }
0x16c: {  	[tilespmem:s15+$0xFFFFFFF0] =	vst v16;
	v16 =	vadd.f32 v19, v41  }
0x16d: {  	v17 =	vadd.f32 v17, v21;
	[tilespmem:s15+$0x0] =	vst v18  }
0x16e: {  	s30 =	sshrl.u32 s10, $0x3;
	[tilespmem:s15+$0x10] =	vst v16  }
0x16f: {  	s6 =	sadd.s32 s7, s30;
	[tilespmem:s15+$0x20] =	vst v17  }
0x170: {  	[hbm4b:s6+s13] =	stream.strided.scatter [tilespmem:s26], [sflag:$0x5], $0x3100, s14, s13, $0x38;
	[tilespmem:$0x1AD00] =	vst v63  }
0x171: {  	s6 =	sadd.s32 @!p1 $0x4, s4  }
0x172: {  	s10 =	sadd.s32 $0x2, s4;
	s9 =	sadd.s32 @!p1 s5, s6  }
0x173: {  	s11 =	sshll.u32 @!p1 s6, $0x7;
	s6 =	sadd.s32 s5, s10;
	s9 =	sshrl.u32 @!p1 s9, $0x3  }
0x174: {  	s12 =	sshrl.u32 s6, $0x2;
	s9 =	smul.u32 @!p1 $0x18800, s9  }
0x175: {  	s11 =	sand.u32 @!p1 $0x380, s11;
	s31 =	smulhi.u32 $0x2AAAAAAB, s12  }
0x176: {  	s30 =	simm.s32 @!p1 $0x400;
	s9 =	sor.u32 @!p1 s11, s9  }
0x177: {  	s15 =	simm.s32 @!p1 $0x80;
	s11 =	sshrl.u32 s31, $0x4;
	s9 =	sshrl.u32 @!p1 s9, $0x3  }
0x178: {  	s31 =	simm.s32 @!p1 $0x3100;
	s11 =	smul.u32 $0x60, s11;
	s9 =	sadd.s32 @!p1 s1, s9  }
0x179: {  	[tilespmem:s31], [sflag:$0x2] =	stream.strided.gather @!p1 [hbm4b:s9+s15], $0x3100, s30, s15, $0x38;
	[tilespmem:$0x1AD00] =	vst v63  }
0x17a: {  	s12 =	ssub.s32 s12, s11;
	_ =	swait.ge [sflag:s28], $0x3100  }
0x17b: {  	v16 =	vmov s12;
	[sflag:s28] =	ssyncset.done $0x0  }
0x17c: {  	s11 =	simm.s32 @!p0 $0x6;
	[sflag:s28] =	ssyncadd.s32 $0xFFFFCF00  }
0x17d: {  	_ =	swait.ge @!p0 [sflag:s11], $0x3100  }
0x17e: {  	[sflag:s11] =	ssyncset.done @!p0 $0x0  }
0x17f: {  	[sflag:s11] =	ssyncadd.s32 @!p0 $0xFFFFCF00  }
0x180: {  	s15 =	simm.s32 $0x6240;
	v16 =	vld.idx.msk [tilespmem:v16+s19+$0x0], $0xffff  }
0x181: {  	v17 =	vld [tilespmem:s15+$0x30]  }
0x182: {  	v18 =	vld [tilespmem:s15+$0xFFFFFFD0]  }
0x183: {  	v19 =	vld [tilespmem:s15+$0xFFFFFFE0]  }
0x184: {  	v20 =	vld [tilespmem:s15+$0xFFFFFFF0]  }
0x185: {  	v22 =	vld [tilespmem:s15+$0x10]  }
0x186: {  	s30 =	simm.s32 $0x62C0;
	v23 =	vld [tilespmem:s15+$0xFFFFFFC0]  }
0x187: {  	v60 =	vld [tilespmem:s30+$0xFFFFFFC0];
	v16 =	vmul.f32 $1.250000000e+01, v16  }
0x188: {  	v21 =	vld [tilespmem:s15+$0x0]  }
0x189: {  	v17 =	vmul.f32 v17, v16;
	v18 =	vmul.f32 v18, v16  }
0x18a: {  	v19 =	vmul.f32 v19, v16;
	v20 =	vmul.f32 v20, v16  }
0x18b: {  	s9 =	sshll.u32 s12, $0x7;
	v24 =	vld [tilespmem:s15+$0x20];
	v22 =	vmul.f32 v22, v16;
	v23 =	vmul.f32 v23, v16;
	v25 =	vadd.f32 $5.000000000e+01, v17  }
0x18c: {  	v62 =	vmul.f32 v60, v16;
	v17 =	vmov s9;
	v18 =	vadd.f32 $5.000000000e+01, v18  }
0x18d: {  	v26 =	vadd.f32 $5.000000000e+01, v19;
	v19 =	vmul.f32 v21, v16;
	v21 =	vmax.f32 v25, $0.0e+00  }
0x18e: {  	v20 =	vadd.f32 $5.000000000e+01, v20;
	v22 =	vadd.f32 $5.000000000e+01, v22;
	v21 =	vmin.f32 v21, $9.900000000e+01  }
0x18f: {  	v23 =	vadd.f32 $5.000000000e+01, v23;
	v27 =	vadd.f32 $5.000000000e+01, v19;
	v21 =	vtrunc.f32 v21  }
0x190: {  	v19 =	vmul.f32 v24, v16;
	v24 =	vmax.f32 v18, $0.0e+00;
	v21 =	vcvt.f32.s32 v21  }
0x191: {  	v28 =	vmax.f32 v26, $0.0e+00;
	v31 =	vmax.f32 v23, $0.0e+00;
	v43 =	vmax.f32 v22, $0.0e+00  }
0x192: {  	v31 =	vmin.f32 v31, $9.900000000e+01;
	v24 =	vmin.f32 v24, $9.900000000e+01;
	v30 =	vadd.s32 v21, v17  }
0x193: {  	v28 =	vmin.f32 v28, $9.900000000e+01;
	v33 =	vmin.f32 v43, $9.900000000e+01;
	v29 =	vadd.f32 $5.000000000e+01, v19  }
0x194: {  	v19 =	vmax.f32 v20, $0.0e+00;
	v31 =	vtrunc.f32 v31;
	v24 =	vtrunc.f32 v24  }
0x195: {  	v42 =	vmax.f32 v27, $0.0e+00;
	v28 =	vtrunc.f32 v28;
	v33 =	vtrunc.f32 v33  }
0x196: {  	v19 =	vmin.f32 v19, $9.900000000e+01;
	v31 =	vcvt.f32.s32 v31;
	v24 =	vcvt.f32.s32 v24  }
0x197: {  	v32 =	vmin.f32 v42, $9.900000000e+01;
	v28 =	vcvt.f32.s32 v28;
	v46 =	vcvt.f32.s32 v33;
	v45 =	vld.idx.msk [tilespmem:v30+s23+$0x0], $0xffff  }
0x198: {  	v44 =	vmax.f32 v29, $0.0e+00;
	v19 =	vtrunc.f32 v19;
	v21 =	vcvt.s32.f32 v21  }
0x199: {  	v32 =	vtrunc.f32 v32;
	v37 =	vadd.s32 v31, v17;
	v34 =	vmin.f32 v44, $9.900000000e+01;
	v30 =	vld.idx.msk [tilespmem:v30+s22+$0x0], $0xffff  }
0x19a: {  	v19 =	vcvt.f32.s32 v19;
	v38 =	vadd.s32 v24, v17;
	v21 =	vsub.f32 v25, v21  }
0x19b: {  	v39 =	vadd.s32 v28, v17;
	v31 =	vcvt.s32.f32 v31;
	v28 =	vcvt.s32.f32 v28  }
0x19c: {  	v54 =	vld [tilespmem:s30+$0x30];
	v50 =	vadd.s32 v46, v17;
	v25 =	vcvt.f32.s32 v32;
	v21 =	vmul.f32 v21, v45  }
0x19d: {  	v55 =	vld [tilespmem:s30+$0xFFFFFFD0];
	v34 =	vtrunc.f32 v34;
	v40 =	vadd.s32 v19, v17;
	v31 =	vsub.f32 v23, v31  }
0x19e: {  	v23 =	vcvt.s32.f32 v25;
	v30 =	vadd.f32 v21, v30;
	v21 =	vcvt.s32.f32 v24;
	v24 =	vld [tilespmem:s30+$0xFFFFFFE0]  }
0x19f: {  	v57 =	vld [tilespmem:s30+$0xFFFFFFF0];
	v34 =	vcvt.f32.s32 v34;
	v56 =	vcvt.s32.f32 v19;
	v41 =	vadd.s32 v25, v17  }
0x1a0: {  	v25 =	vcvt.s32.f32 v46;
	v46 =	vadd.f32 $5.000000000e+01, v62;
	v47 =	vld.idx.msk [tilespmem:v37+s23+$0x0], $0xffff;
	v23 =	vsub.f32 v27, v23  }
0x1a1: {  	v59 =	vld [tilespmem:s30+$0x20];
	v19 =	vsub.f32 v18, v21;
	v18 =	vsub.f32 v26, v28;
	v28 =	vmul.f32 v54, v16  }
0x1a2: {  	v27 =	vmul.f32 v55, v16;
	v22 =	vsub.f32 v22, v25;
	v62 =	vmax.f32 v46, $0.0e+00  }
0x1a3: {  	v53 =	vmin.f32 v62, $9.900000000e+01;
	v42 =	vadd.f32 $5.000000000e+01, v28;
	v24 =	vmul.f32 v24, v16  }
0x1a4: {  	v58 =	vld [tilespmem:s30+$0x0];
	v25 =	vadd.f32 $5.000000000e+01, v27;
	v27 =	vmul.f32 v57, v16;
	v53 =	vtrunc.f32 v53  }
0x1a5: {  	v44 =	vmul.f32 v31, v47;
	v28 =	vadd.f32 $5.000000000e+01, v24;
	v24 =	vmax.f32 v42, $0.0e+00  }
0x1a6: {  	v31 =	vadd.f32 $5.000000000e+01, v27;
	v27 =	vmul.f32 v59, v16;
	v24 =	vmin.f32 v24, $9.900000000e+01  }
0x1a7: {  	v51 =	vadd.s32 v34, v17;
	v21 =	vcvt.s32.f32 v34;
	v26 =	vld [tilespmem:s30+$0x10];
	v24 =	vtrunc.f32 v24  }
0x1a8: {  	v63 =	vmax.f32 v25, $0.0e+00;
	v57 =	vmax.f32 v31, $0.0e+00;
	v43 =	vcvt.f32.s32 v24  }
0x1a9: {  	v60 =	vld.idx.msk [tilespmem:v37+s22+$0x0], $0xffff;
	v34 =	vmin.f32 v63, $9.900000000e+01;
	v21 =	vsub.f32 v29, v21;
	v29 =	vmul.f32 v58, v16  }
0x1aa: {  	v33 =	vld.idx.msk [tilespmem:v50+s23+$0x0], $0xffff;
	v55 =	vtrunc.f32 v34;
	v24 =	vadd.f32 $5.000000000e+01, v27;
	v27 =	vadd.s32 v43, v17  }
0x1ab: {  	v49 =	vld.idx.msk [tilespmem:v38+s22+$0x0], $0xffff;
	v63 =	vmin.f32 v57, $9.900000000e+01;
	v55 =	vcvt.f32.s32 v55;
	v35 =	vadd.f32 $5.000000000e+01, v29  }
0x1ac: {  	v20 =	vsub.f32 v20, v56;
	v32 =	vld.idx.msk [tilespmem:v40+s23+$0x0], $0xffff;
	v54 =	vtrunc.f32 v63;
	v61 =	vmul.f32 v26, v16  }
0x1ad: {  	s31 =	sshrl.u32 s6, $0x3;
	s6 =	simm.s32 $0xF540;
	v37 =	vld.idx.msk [tilespmem:v41+s23+$0x0], $0xffff;
	v62 =	vcvt.f32.s32 v54;
	v54 =	vcvt.s32.f32 v55;
	v58 =	vmax.f32 v35, $0.0e+00  }
0x1ae: {  	[tilespmem:s6+$0x30] =	vst v30;
	v30 =	vld.idx.msk [tilespmem:v50+s22+$0x0], $0xffff;
	v36 =	vadd.f32 $5.000000000e+01, v61;
	v56 =	vmax.f32 v28, $0.0e+00;
	v47 =	vmin.f32 v58, $9.900000000e+01  }
0x1af: {  	v58 =	vadd.f32 v44, v60;
	v60 =	vcvt.f32.s32 v53;
	v45 =	vmin.f32 v56, $9.900000000e+01;
	v56 =	vld.idx.msk [tilespmem:v27+s23+$0x0], $0xffff  }
0x1b0: {  	v34 =	vld.idx.msk [tilespmem:v51+s23+$0x0], $0xffff;
	v57 =	vtrunc.f32 v47;
	v59 =	vmax.f32 v36, $0.0e+00;
	v43 =	vcvt.s32.f32 v43  }
0x1b1: {  	v45 =	vtrunc.f32 v45;
	v61 =	vmax.f32 v24, $0.0e+00;
	v48 =	vmin.f32 v59, $9.900000000e+01;
	v27 =	vld.idx.msk [tilespmem:v27+s22+$0x0], $0xffff  }
0x1b2: {  	v29 =	vld.idx.msk [tilespmem:v39+s23+$0x0], $0xffff;
	v52 =	vmin.f32 v61, $9.900000000e+01;
	v59 =	vtrunc.f32 v48;
	v43 =	vsub.f32 v42, v43  }
0x1b3: {  	v26 =	vld.idx.msk [tilespmem:v38+s23+$0x0], $0xffff;
	v44 =	vadd.s32 v60, v17;
	v61 =	vcvt.f32.s32 v45;
	v38 =	vtrunc.f32 v52  }
0x1b4: {  	v47 =	vld.idx.msk [tilespmem:v39+s22+$0x0], $0xffff;
	v52 =	vcvt.f32.s32 v57;
	v57 =	vmul.f32 v43, v56  }
0x1b5: {  	v48 =	vld.idx.msk [tilespmem:v40+s22+$0x0], $0xffff;
	v40 =	vadd.s32 v62, v17;
	v42 =	vadd.s32 v55, v17;
	v53 =	vcvt.f32.s32 v59  }
0x1b6: {  	s10 =	sshll.u32 s10, $0x7;
	s9 =	smul.u32 $0x18800, s31;
	v45 =	vld.idx.msk [tilespmem:v41+s22+$0x0], $0xffff;
	v55 =	vcvt.s32.f32 v62;
	v50 =	vcvt.f32.s32 v38;
	v63 =	vadd.f32 v57, v27  }
0x1b7: {  	s10 =	sand.u32 $0x380, s10;
	s15 =	simm.s32 $0xF5C0;
	[tilespmem:s6+$0xFFFFFFC0] =	vst v58;
	v41 =	vadd.s32 v52, v17;
	v39 =	vadd.s32 v53, v17;
	v56 =	vcvt.s32.f32 v60;
	v27 =	vld.idx.msk [tilespmem:v51+s22+$0x0], $0xffff  }
0x1b8: {  	s12 =	simm.s32 $0x6340;
	s11 =	simm.s32 $0x8;
	s10 =	sor.u32 s10, s9;
	v38 =	vadd.s32 v50, v17;
	v43 =	vadd.s32 v61, v17;
	v51 =	vld.idx.msk [tilespmem:v44+s23+$0x0], $0xffff;
	v57 =	vcvt.s32.f32 v61;
	[tilespmem:s15+$0x30] =	vst v63  }
.LBB2_9:
0x1b9: {  	v58 =	vld [tilespmem:s12+$0x30];
	s11 =	sadd.s32 $0x8, s11;
	v46 =	vsub.f32 v46, v56;
	v52 =	vcvt.s32.f32 v52;
	v53 =	vcvt.s32.f32 v53  }
0x1ba: {  	v25 =	vsub.f32 v25, v54;
	v50 =	vcvt.s32.f32 v50;
	v56 =	vld [tilespmem:s12+$0xFFFFFFD0];
	p0 =	slt.u32 s11, $0x308;
	v28 =	vsub.f32 v28, v57  }
0x1bb: {  	v26 =	vmul.f32 v19, v26;
	v31 =	vsub.f32 v31, v55;
	v54 =	vld [tilespmem:s12+$0xFFFFFFE0];
	v35 =	vsub.f32 v35, v52  }
0x1bc: {  	v29 =	vmul.f32 v18, v29;
	v36 =	vsub.f32 v36, v53;
	v24 =	vsub.f32 v24, v50;
	v19 =	vmovc v25;
	v52 =	vld [tilespmem:s12+$0xFFFFFFF0]  }
0x1bd: {  	v25 =	vadd.f32 v26, v49;
	v26 =	vmul.f32 v20, v32;
	v32 =	vmul.f32 v23, v37;
	v18 =	vmovc v28;
	v50 =	vld [tilespmem:s12+$0x0]  }
0x1be: {  	v28 =	vadd.f32 v29, v47;
	v20 =	vmovc v31;
	v51 =	vmul.f32 v46, v51;
	v37 =	vld [tilespmem:s12+$0x10];
	v49 =	vmul.f32 v58, v16  }
0x1bf: {  	v53 =	vmul.f32 v22, v33;
	v31 =	vadd.f32 v26, v48;
	v29 =	vmul.f32 v56, v16;
	v46 =	vld [tilespmem:s12+$0x20];
	[tilespmem:s6+$0xFFFFFFD0] =	vst v25  }
0x1c0: {  	v55 =	vmul.f32 v21, v34;
	v23 =	vmovc v35;
	v33 =	vld [tilespmem:s12+$0xFFFFFFC0];
	v47 =	vmul.f32 v54, v16;
	v54 =	vadd.f32 $5.000000000e+01, v49;
	[tilespmem:s6+$0xFFFFFFE0] =	vst v28  }
0x1c1: {  	v35 =	vadd.f32 v32, v45;
	v25 =	vadd.f32 $5.000000000e+01, v29;
	v34 =	vmul.f32 v52, v16;
	v26 =	vld.idx.msk [tilespmem:v42+s23+$0x0], $0xffff;
	[tilespmem:s6+$0xFFFFFFF0] =	vst v31  }
0x1c2: {  	v22 =	vmovc v36;
	v21 =	vmovc v24;
	v28 =	vadd.f32 $5.000000000e+01, v47;
	v45 =	vmul.f32 v50, v16;
	v32 =	vmax.f32 v54, $0.0e+00;
	v29 =	vld.idx.msk [tilespmem:v43+s23+$0x0], $0xffff  }
0x1c3: {  	v31 =	vadd.f32 $5.000000000e+01, v34;
	v24 =	vmul.f32 v37, v16;
	v34 =	vmin.f32 v32, $9.900000000e+01;
	v32 =	vld.idx.msk [tilespmem:v40+s23+$0x0], $0xffff;
	[tilespmem:s6+$0x0] =	vst v35  }
0x1c4: {  	v35 =	vadd.f32 $5.000000000e+01, v45;
	v45 =	vmul.f32 v46, v16;
	v34 =	vtrunc.f32 v34;
	v37 =	vld.idx.msk [tilespmem:v41+s23+$0x0], $0xffff  }
0x1c5: {  	v46 =	vmul.f32 v33, v16;
	v36 =	vadd.f32 $5.000000000e+01, v24;
	v50 =	vcvt.f32.s32 v34;
	v33 =	vld.idx.msk [tilespmem:v39+s23+$0x0], $0xffff  }
0x1c6: {  	v47 =	vmax.f32 v25, $0.0e+00;
	v48 =	vmax.f32 v28, $0.0e+00;
	v24 =	vadd.f32 $5.000000000e+01, v45;
	v34 =	vld.idx.msk [tilespmem:v38+s23+$0x0], $0xffff  }
0x1c7: {  	v45 =	vmax.f32 v31, $0.0e+00;
	v46 =	vadd.f32 $5.000000000e+01, v46;
	v52 =	vadd.s32 v50, v17;
	v44 =	vld.idx.msk [tilespmem:v44+s22+$0x0], $0xffff  }
0x1c8: {  	v56 =	vmax.f32 v35, $0.0e+00;
	v57 =	vmax.f32 v36, $0.0e+00;
	v58 =	vmax.f32 v24, $0.0e+00;
	v49 =	vld.idx.msk [tilespmem:v42+s22+$0x0], $0xffff  }
0x1c9: {  	v59 =	vmin.f32 v47, $9.900000000e+01;
	v60 =	vmin.f32 v48, $9.900000000e+01;
	v42 =	vmax.f32 v46, $0.0e+00;
	v47 =	vld.idx.msk [tilespmem:v43+s22+$0x0], $0xffff  }
0x1ca: {  	v56 =	vmin.f32 v56, $9.900000000e+01;
	v43 =	vmin.f32 v45, $9.900000000e+01;
	v42 =	vmin.f32 v42, $9.900000000e+01;
	v48 =	vld.idx.msk [tilespmem:v40+s22+$0x0], $0xffff  }
0x1cb: {  	v40 =	vtrunc.f32 v42;
	v42 =	vmin.f32 v57, $9.900000000e+01;
	v57 =	vmin.f32 v58, $9.900000000e+01;
	v45 =	vld.idx.msk [tilespmem:v41+s22+$0x0], $0xffff  }
0x1cc: {  	v53 =	vadd.f32 v53, v30;
	v41 =	vtrunc.f32 v59;
	v58 =	vtrunc.f32 v60;
	v59 =	vld.idx.msk [tilespmem:v52+s23+$0x0], $0xffff  }
0x1cd: {  	v56 =	vtrunc.f32 v56;
	v43 =	vtrunc.f32 v43;
	v44 =	vadd.f32 v51, v44;
	v30 =	vld.idx.msk [tilespmem:v39+s22+$0x0], $0xffff  }
0x1ce: {  	v39 =	vtrunc.f32 v42;
	v42 =	vcvt.s32.f32 v50;
	v50 =	vadd.f32 v55, v27;
	v51 =	vld.idx.msk [tilespmem:v52+s22+$0x0], $0xffff;
	[tilespmem:s6+$0x10] =	vst v53  }
0x1cf: {  	v57 =	vtrunc.f32 v57;
	v55 =	vcvt.f32.s32 v40;
	[tilespmem:s15+$0xFFFFFFC0] =	vst v44;
	v27 =	vld.idx.msk [tilespmem:v38+s22+$0x0], $0xffff  }
0x1d0: {  	v58 =	vcvt.f32.s32 v58;
	v38 =	vcvt.f32.s32 v41;
	v40 =	vsub.f32 v54, v42;
	[tilespmem:s6+$0x20] =	vst v50;
	s6 =	smov.u32 s15  }
0x1d1: {  	v60 =	vcvt.f32.s32 v43;
	v52 =	vcvt.f32.s32 v56;
	v44 =	vadd.s32 v55, v17  }
.Ltmp5:
0x1d2: {  	v53 =	vcvt.f32.s32 v39;
	v42 =	vadd.s32 v38, v17;
	v54 =	vmul.f32 v40, v59;
	(pc) =	sbr.rel @p0 .LBB2_9-.Ltmp5, $4  }
0x1d3: {  	v43 =	vadd.s32 v58, v17;
	v50 =	vcvt.f32.s32 v57;
	v40 =	vadd.s32 v60, v17  }
0x1d4: {  	v41 =	vadd.s32 v52, v17;
	v39 =	vadd.s32 v53, v17;
	v59 =	vadd.f32 v54, v51  }
0x1d5: {  	v56 =	vcvt.s32.f32 v55;
	s15 =	sadd.s32 $0x80, s15;
	v54 =	vcvt.s32.f32 v38;
	v38 =	vadd.s32 v50, v17  }
0x1d6: {  	s12 =	sadd.s32 $0x80, s12;
	v55 =	vcvt.s32.f32 v60;
	v57 =	vcvt.s32.f32 v58;
	v51 =	vld.idx.msk [tilespmem:v44+s23+$0x0], $0xffff;
	[tilespmem:s15+$0x30] =	vst v59  }
0x1d7: {  	_ =	sdelay $0x3  }
0x1d8: {  	v16 =	vld.idx.msk [tilespmem:v42+s23+$0x0], $0xffff  }
0x1d9: {  	v17 =	vld.idx.msk [tilespmem:v43+s23+$0x0], $0xffff  }
0x1da: {  	v46 =	vsub.f32 v46, v56;
	v61 =	vld.idx.msk [tilespmem:v40+s23+$0x0], $0xffff;
	v52 =	vcvt.s32.f32 v52  }
0x1db: {  	v25 =	vsub.f32 v25, v54;
	v19 =	vmul.f32 v19, v26;
	v62 =	vld.idx.msk [tilespmem:v41+s23+$0x0], $0xffff;
	v53 =	vcvt.s32.f32 v53  }
0x1dc: {  	v18 =	vmul.f32 v18, v29;
	v29 =	vld.idx.msk [tilespmem:v39+s23+$0x0], $0xffff;
	v20 =	vmul.f32 v20, v32;
	v28 =	vsub.f32 v28, v57  }
0x1dd: {  	v63 =	vld.idx.msk [tilespmem:v44+s22+$0x0], $0xffff;
	v23 =	vmul.f32 v23, v37;
	v31 =	vsub.f32 v31, v55;
	v19 =	vadd.f32 v19, v49  }
0x1de: {  	v37 =	vld.idx.msk [tilespmem:v38+s23+$0x0], $0xffff;
	v21 =	vmul.f32 v21, v34;
	v35 =	vsub.f32 v35, v52;
	v18 =	vadd.f32 v18, v47  }
0x1df: {  	v36 =	vsub.f32 v36, v53;
	v44 =	vadd.f32 v20, v48;
	v48 =	vld.idx.msk [tilespmem:v42+s22+$0x0], $0xffff;
	[tilespmem:s6+$0xFFFFFFD0] =	vst v19  }
0x1e0: {  	v47 =	vmul.f32 v22, v33;
	v52 =	vld.idx.msk [tilespmem:v43+s22+$0x0], $0xffff;
	v59 =	vadd.f32 v21, v27;
	[tilespmem:s6+$0xFFFFFFE0] =	vst v18  }
0x1e1: {  	v53 =	vld.idx.msk [tilespmem:v40+s22+$0x0], $0xffff;
	v49 =	vmul.f32 v46, v51;
	v51 =	vadd.f32 v23, v45;
	[tilespmem:s6+$0xFFFFFFF0] =	vst v44  }
0x1e2: {  	v55 =	vld.idx.msk [tilespmem:v41+s22+$0x0], $0xffff;
	v20 =	vadd.f32 v47, v30;
	[tilespmem:s6+$0x20] =	vst v59;
	v16 =	vmul.f32 v25, v16  }
0x1e3: {  	v58 =	vld.idx.msk [tilespmem:v39+s22+$0x0], $0xffff;
	v57 =	vcvt.s32.f32 v50;
	v17 =	vmul.f32 v28, v17;
	[tilespmem:s6+$0x0] =	vst v51;
	v56 =	vadd.f32 v49, v63  }
0x1e4: {  	v60 =	vld.idx.msk [tilespmem:v38+s22+$0x0], $0xffff;
	v61 =	vmul.f32 v31, v61;
	[tilespmem:s6+$0x10] =	vst v20;
	v16 =	vadd.f32 v16, v48  }
0x1e5: {  	v24 =	vsub.f32 v24, v57;
	v62 =	vmul.f32 v35, v62;
	v17 =	vadd.f32 v17, v52;
	[tilespmem:s15+$0xFFFFFFC0] =	vst v56  }
0x1e6: {  	v63 =	vmul.f32 v36, v29;
	[tilespmem:s15+$0xFFFFFFD0] =	vst v16;
	v16 =	vadd.f32 v61, v53  }
0x1e7: {  	v18 =	vadd.f32 v62, v55;
	[tilespmem:s15+$0xFFFFFFE0] =	vst v17;
	v17 =	vmul.f32 v24, v37  }
.Ltmp6:
0x1e8: {  	[tilespmem:s15+$0xFFFFFFF0] =	vst v16;
	v16 =	vadd.f32 v63, v58;
	(pc) =	sbr.rel @p1 .LBB2_12-.Ltmp6, $4  }
0x1e9: {  	[tilespmem:s15+$0x0] =	vst v18;
	v17 =	vadd.f32 v17, v60  }
0x1ea: {  	s31 =	sshrl.u32 s10, $0x3;
	[tilespmem:s15+$0x10] =	vst v16  }
0x1eb: {  	s6 =	sadd.s32 s7, s31;
	[tilespmem:s15+$0x20] =	vst v17  }
0x1ec: {  	[hbm4b:s6+s13] =	stream.strided.scatter [tilespmem:s29], [sflag:$0x6], $0x3100, s14, s13, $0x38;
	[tilespmem:$0x1AD00] =	vst v63  }
0x1ed: {  	s4 =	sadd.s32 $0x5, s4  }
0x1ee: {  	s6 =	sadd.s32 s5, s4  }
0x1ef: {  	s6 =	sshrl.u32 s6, $0x3  }
0x1f0: {  	s4 =	sshll.u32 s4, $0x7;
	s6 =	smul.u32 $0x18800, s6  }
.Ltmp7:
0x1f1: {  	s4 =	sand.u32 $0x380, s4;
	(pc) =	sbr.rel .LBB2_4-.Ltmp7, $4  }
0x1f2: {  	s4 =	sor.u32 s4, s6  }
0x1f3: {  	s4 =	sshrl.u32 s4, $0x3  }
0x1f4: {  	s2 =	sadd.s32 $0x1, s2;
	s4 =	sadd.s32 s1, s4  }
0x1f5: {  	[tilespmem:s16], [sflag:$0x3] =	stream.strided.gather [hbm4b:s4+s13], $0x3100, s14, s13, $0x38;
	[tilespmem:$0x1AD00] =	vst v63  }
.LBB2_13:
0x1f6: {  	_ =	sfence.sel $0x180000  }
0x1f7: {  	[bflag:$0x0] =	sbarrier.arrive $0xFFFF  }
0x1f8: {  	_ =	strace $0x90000047  }
0x1f9: {  	s0 =	stileid.u32;
	[bflag:$0x2] =	sbarrier.arrive $0xFFFF  }
0x1fa: {  	p0 =	sne.s32 s0, $0x0;
	s0 =	rddreg [dreg:$0x5]  }
0x1fb: {  	s0 =	sadd.s32 @!p0 $0x100000, s0  }
0x1fc: {  	[sflag:s0] =	ssyncadd.tile.s32 @!p0 $0x1;
	_ =	shalt  }
.Lfunc_end2:
_tile_overlayer_lowered:
.L_overlay_start_2:
0x1fd: {  	(tag) =	ssettag $0x2  }
0x1fe: {  	s0 =	rddreg [dreg:$0x0];
	s2 =	stileid.u32  }
0x1ff: {  	s1 =	rddreg [dreg:$0x1];
	p0 =	sne.s32 s2, $0x0  }
0x200: {  	s3 =	rddreg [dreg:$0x2];
	[bflag:$0x3] =	sbarrier.arrive $0xFFFF;
	s2 =	simm.s32 @!p0 $0x1C07  }
0x201: {  	[timem:s3], [sflag:s2] =	dma.local @!p0 [hbm:s0], s1  }
0x202: {  	s0 =	simm.s32 @!p0 $0x7  }
0x203: {  	_ =	swait.ge @!p0 [sflag:s0], s1  }
0x204: {  	s1 =	ssub.s32 @!p0 $0x0, s1;
	[sflag:s0] =	ssyncset.done @!p0 $0x0  }
0x205: {  	[sflag:s0] =	ssyncadd.s32 @!p0 s1  }
0x206: {  	[bflag:$0x3] =	sbarrier.arrive $0xFFFF  }
0x207: {  	_ =	shalt  }

</sc_bundles>
